<compile_context>
chip_gen: v7x
topology: tpu7x:2x2x1
jax: 0.10.2.dev20260603
libtpu: 0.0.44.dev20260713+nightly
codegen_flags: <defaults>
</compile_context>

<pallas_src>
import jax
import jax.numpy as jnp
from jax import lax
from jax.experimental import pallas as pl
from jax.experimental.pallas import tpu as pltpu
from jax.experimental.pallas import tpu_sc as plsc

PIECE_HEX_DIM = 120
P1_FEATURE_CUTOFF = 60
DENSE_DIM = 66
HEX_COUNT = 60
FT_DIM = 256
HIDDEN_DIM = 512
B = 16384

LANE = 128
DPAD = 72
R = 2048
OUT_ROWS = 64

NC = 2
NS = 16
NW = NC * NS
RPW = B // NW
GRP = 16
NGRP = RPW // GRP


def _sc_select(sp_hbm, out_hbm, sp_v, idx_v):
    wid = lax.axis_index("s") * NC + lax.axis_index("c")
    base = wid * RPW
    pltpu.sync_copy(sp_hbm.at[:, pl.ds(base, RPW)], sp_v)

    def group(g, _):
        cs = pl.ds(g * GRP, GRP)
        zeros = jnp.zeros((GRP,), jnp.int32)
        stm0 = jnp.where(sp_v[6, cs] == 0, 1, 0)
        cum = [zeros, zeros]
        slots = [[zeros, zeros, zeros], [zeros, zeros, zeros]]
        for j in range(6):
            spj = sp_v[j, cs]
            p1 = jnp.where(spj < P1_FEATURE_CUTOFF, 1, 0)
            same = stm0 * p1 + (1 - stm0) * (1 - p1)
            m = [same, 1 - same]
            for t in range(2):
                for s in range(3):
                    pick = m[t] * jnp.where(cum[t] == s, 1, 0)
                    slots[t][s] = slots[t][s] + pick * spj
                cum[t] = cum[t] + m[t]
        for t in range(2):
            for s in range(3):
                idx_v[3 * t + s, cs] = slots[t][s].astype(jnp.float32)
        return _

    jax.lax.fori_loop(0, NGRP, group, None)
    pltpu.sync_copy(idx_v, out_hbm.at[:, pl.ds(base, RPW)])


@jax.jit
def _run_sc(sp8):
    mesh = plsc.VectorSubcoreMesh(core_axis_name="c", subcore_axis_name="s")
    f = pl.kernel(
        _sc_select,
        mesh=mesh,
        out_type=jax.ShapeDtypeStruct((8, B), jnp.float32),
        scratch_types=[
            pltpu.VMEM((8, RPW), jnp.int32),
            pltpu.VMEM((8, RPW), jnp.float32),
        ],
    )
    return f(sp8)


def _fwd(idx_ref, dense_ref, ftw_ref, ftb_ref,
         w1a_ref, w1b_ref, w1c_ref, b1_ref, w2_ref, b2_ref,
         out_ref):
    cols = idx_ref.shape[1]
    iota_bf = lax.broadcasted_iota(
        jnp.int32, (LANE, cols), 0).astype(jnp.bfloat16)
    one = jnp.ones((LANE, cols), jnp.bfloat16)
    zero = jnp.zeros((LANE, cols), jnp.bfloat16)

    counts = [None, None]
    for t in range(2):
        acc0 = zero
        acc1 = zero
        for s in range(3):
            spx = idx_ref[3 * t + s:3 * t + s + 1, :].astype(jnp.bfloat16)
            hit = jnp.where(spx == iota_bf, one, zero)
            if s % 2 == 0:
                acc0 = acc0 + hit
            else:
                acc1 = acc1 + hit
        counts[t] = acc0 + acc1

    ftw = ftw_ref[...]
    ftb = ftb_ref[...]
    acc_s = jnp.maximum(
        jnp.dot(ftw, counts[0], preferred_element_type=jnp.float32) + ftb, 0.0)
    acc_n = jnp.maximum(
        jnp.dot(ftw, counts[1], preferred_element_type=jnp.float32) + ftb, 0.0)

    h = jnp.dot(w1a_ref[...], acc_s.astype(jnp.bfloat16),
                preferred_element_type=jnp.float32)
    h = h + jnp.dot(w1b_ref[...], acc_n.astype(jnp.bfloat16),
                    preferred_element_type=jnp.float32)
    h = h + jnp.dot(w1c_ref[...], dense_ref[...],
                    preferred_element_type=jnp.float32)
    h = jnp.maximum(h + b1_ref[...], 0.0)

    out = jnp.dot(w2_ref[...], h, preferred_element_type=jnp.float32)
    out = out + b2_ref[...]
    vrow = lax.broadcasted_iota(jnp.int32, (OUT_ROWS, cols), 0) == HEX_COUNT
    out_ref[...] = jnp.where(vrow, jnp.tanh(out), out)


@jax.jit
def _run_tc(idx_t, dense_t, ftw, ftb, w1a, w1b, w1c, b1, w2, b2):
    grid = (B // R,)
    col = lambda i: (0, i)
    rep = lambda i: (0, 0)
    out = pl.pallas_call(
        _fwd,
        grid=grid,
        in_specs=[
            pl.BlockSpec((8, R), col),
            pl.BlockSpec((DPAD, R), col),
            pl.BlockSpec((FT_DIM, LANE), rep),
            pl.BlockSpec((FT_DIM, 1), rep),
            pl.BlockSpec((HIDDEN_DIM, FT_DIM), rep),
            pl.BlockSpec((HIDDEN_DIM, FT_DIM), rep),
            pl.BlockSpec((HIDDEN_DIM, DPAD), rep),
            pl.BlockSpec((HIDDEN_DIM, 1), rep),
            pl.BlockSpec((OUT_ROWS, HIDDEN_DIM), rep),
            pl.BlockSpec((OUT_ROWS, 1), rep),
        ],
        out_specs=pl.BlockSpec((OUT_ROWS, R), col),
        out_shape=jax.ShapeDtypeStruct((OUT_ROWS, B), jnp.float32),
    )(idx_t, dense_t, ftw, ftb, w1a, w1b, w1c, b1, w2, b2)
    return out


def kernel(sparse_batch, dense_batch, stm_players, ft_W, ft_b,
           fc1_W, fc1_b, fc2v_W, fc2v_b, fc2p_W, fc2p_b):
    sp8 = jnp.concatenate(
        [sparse_batch.astype(jnp.int32).T,
         stm_players.astype(jnp.int32).reshape(1, B),
         jnp.zeros((1, B), jnp.int32)], axis=0)

    idx_t = _run_sc(sp8)

    dense_t = jnp.pad(dense_batch.T.astype(jnp.bfloat16),
                      ((0, DPAD - DENSE_DIM), (0, 0)))

    ftw = jnp.pad(ft_W, ((0, 0), (0, LANE - PIECE_HEX_DIM))
                  ).astype(jnp.bfloat16)
    ftb = ft_b.reshape(FT_DIM, 1)

    w1a = fc1_W[:, :FT_DIM].astype(jnp.bfloat16)
    w1b = fc1_W[:, FT_DIM:2 * FT_DIM].astype(jnp.bfloat16)
    w1c = jnp.pad(fc1_W[:, 2 * FT_DIM:],
                  ((0, 0), (0, DPAD - DENSE_DIM))).astype(jnp.bfloat16)
    b1 = fc1_b.reshape(HIDDEN_DIM, 1)

    w2 = jnp.pad(jnp.concatenate([fc2p_W, fc2v_W], axis=0),
                 ((0, OUT_ROWS - HEX_COUNT - 1), (0, 0)))
    b2 = jnp.pad(jnp.concatenate([fc2p_b, fc2v_b], axis=0),
                 (0, OUT_ROWS - HEX_COUNT - 1)).reshape(OUT_ROWS, 1)

    out = _run_tc(idx_t, dense_t, ftw, ftb, w1a, w1b, w1c, b1, w2, b2)
    return (out[:HEX_COUNT].T, out[HEX_COUNT])

# --- scband reference (transcript-rebuilt; emitter-appended) ---
"""Pipeline reference for scband-nnuemctsmodel-29334626631942 (READ-ONLY COPY).

The authoritative reference and input builder live on the scoring server;
editing this copy changes nothing except your own understanding.
"""

import jax, jax.numpy as jnp
import numpy as np

PIECE_HEX_DIM = 120
P1_FEATURE_CUTOFF = 60
DENSE_DIM = 66
HEX_COUNT = 60
FT_DIM = 256
HIDDEN_DIM = 512
B = 16384


def setup_inputs(seed: int = 0) -> dict:
    key = jax.random.key(seed)
    ks = jax.random.split(key, 8)
    sparse_batch = jax.random.randint(ks[0], (B, 6), 0, PIECE_HEX_DIM)
    dense_batch = jax.random.normal(ks[1], (B, DENSE_DIM), dtype=jnp.float32)
    stm_players = jax.random.randint(ks[2], (B,), 0, 2)
    total_input = FT_DIM * 2 + DENSE_DIM
    ft_W = jax.random.normal(ks[3], (FT_DIM, PIECE_HEX_DIM), dtype=jnp.float32) * 0.05
    ft_b = jnp.zeros((FT_DIM,), dtype=jnp.float32)
    fc1_W = jax.random.normal(ks[4], (HIDDEN_DIM, total_input), dtype=jnp.float32) * 0.05
    fc1_b = jnp.zeros((HIDDEN_DIM,), dtype=jnp.float32)
    fc2v_W = jax.random.normal(ks[5], (1, HIDDEN_DIM), dtype=jnp.float32) * 0.05
    fc2v_b = jnp.zeros((1,), dtype=jnp.float32)
    fc2p_W = jax.random.normal(ks[6], (HEX_COUNT, HIDDEN_DIM), dtype=jnp.float32) * 0.05
    fc2p_b = jnp.zeros((HEX_COUNT,), dtype=jnp.float32)
    return {"sparse_batch": sparse_batch, "dense_batch": dense_batch, "stm_players": stm_players,
            "ft_W": ft_W, "ft_b": ft_b, "fc1_W": fc1_W, "fc1_b": fc1_b,
            "fc2v_W": fc2v_W, "fc2v_b": fc2v_b, "fc2p_W": fc2p_W, "fc2p_b": fc2p_b}


def _select_top3(sparse_batch, mask):
    rank = jnp.cumsum(mask.astype(jnp.float32), axis=1) - 1.0
    rank = jnp.where(mask, rank, 999.0)
    idx_sorted = jnp.argsort(rank, axis=1)
    idx = jnp.take_along_axis(sparse_batch, idx_sorted[:, :3], axis=1)
    rank_top3 = jnp.take_along_axis(rank, idx_sorted[:, :3], axis=1)
    idx = jnp.where(rank_top3 >= 3.0, 0, idx)
    idx = jnp.where(rank_top3 < 0.0, 0, idx)
    return idx


def reference(sparse_batch, dense_batch, stm_players, ft_W, ft_b, fc1_W, fc1_b, fc2v_W, fc2v_b, fc2p_W, fc2p_b):
    ft_w = ft_W.T  # [PIECE_HEX_DIM, FT_DIM]
    is_p1 = sparse_batch < P1_FEATURE_CUTOFF
    stm0 = (stm_players[:, None] == 0)
    stm_mask = (stm0 & is_p1) | ((~stm0) & (~is_p1))
    is_valid = sparse_batch >= 0
    nstm_mask = (~stm_mask) & is_valid
    stm_idx = _select_top3(sparse_batch, stm_mask)
    nstm_idx = _select_top3(sparse_batch, nstm_mask)
    acc_stm = jnp.take(ft_w, jnp.maximum(stm_idx, 0), axis=0).sum(axis=1) + ft_b
    acc_nstm = jnp.take(ft_w, jnp.maximum(nstm_idx, 0), axis=0).sum(axis=1) + ft_b
    h = jnp.concatenate([jax.nn.relu(acc_stm), jax.nn.relu(acc_nstm), dense_batch], axis=-1)
    h = jax.nn.relu(h @ fc1_W.T + fc1_b)
    value = jnp.tanh(h @ fc2v_W.T + fc2v_b).squeeze(-1)
    policy_logits = h @ fc2p_W.T + fc2p_b
    return (policy_logits, value)

if __name__ == "__main__":
    import jax
    _d = setup_inputs()
    print(jax.jit(kernel)(*tuple(_d.values())))

</pallas_src>

<mosaic_0001>
#map = affine_map<(d0, d1) -> (0, 0)>
module attributes {stable_mosaic.version = 14 : i64} {
  func.func @_sc_select(%arg0: i32, %arg1: i32, %arg2: memref<8x16384xi32, #tpu.memory_space<hbm>>, %arg3: memref<8x16384xf32, #tpu.memory_space<hbm>>, %arg4: memref<8x512xi32, #tpu.memory_space<vmem>>, %arg5: memref<8x512xf32, #tpu.memory_space<vmem>>) attributes {dimension_semantics = [#tpu.dimension_semantics<core_parallel>, #tpu.dimension_semantics<subcore_parallel>], iteration_bounds = array<i64: 2, 16>, scalar_prefetch = 0 : i64, scratch_operands = 2 : i64, tpu.core_type = #tpu.core_type<sc_vector_subcore>, window_params = [{transform_indices = #map}, {transform_indices = #map}]} {
    %mul3A = arith.constant 2 : i32
    %mul3A_0 = arith.muli %arg1, %mul3A : i32
    %add3A = arith.addi %mul3A_0, %arg0 : i32
    %mul3A_1 = arith.constant 512 : i32
    %mul3A_2 = arith.muli %add3A, %mul3A_1 : i32
    "tpu.region"() ({
      %run_scoped3A = tpu.sem_alloc : memref<!tpu.dma_semaphore, #tpu.memory_space<semaphore_mem>>
      %dma_start3A = arith.constant 0 : i32
      %dma_start3A_7 = tpu.memref_slice %arg2[%dma_start3A, %mul3A_2] : memref<8x16384xi32, #tpu.memory_space<hbm>> -> memref<8x512xi32, #tpu.memory_space<hbm>>
      %dma_start3A_8 = arith.constant 0 : i32
      %dma_start3A_9 = tpu.memref_slice %arg2[%dma_start3A_8, %mul3A_2] : memref<8x16384xi32, #tpu.memory_space<hbm>> -> memref<8x512xi32, #tpu.memory_space<hbm>>
      tpu.enqueue_dma source(%dma_start3A_9 : memref<8x512xi32, #tpu.memory_space<hbm>>) target(%arg4 : memref<8x512xi32, #tpu.memory_space<vmem>>) target_semaphore(%run_scoped3A : memref<!tpu.dma_semaphore, #tpu.memory_space<semaphore_mem>>)
      %dma_wait3A = arith.constant 0 : i32
      %dma_wait3A_10 = tpu.memref_slice %arg2[%dma_wait3A, %mul3A_2] : memref<8x16384xi32, #tpu.memory_space<hbm>> -> memref<8x512xi32, #tpu.memory_space<hbm>>
      %dma_wait3A_11 = arith.constant 0 : i32
      %dma_wait3A_12 = tpu.memref_slice %arg2[%dma_wait3A_11, %mul3A_2] : memref<8x16384xi32, #tpu.memory_space<hbm>> -> memref<8x512xi32, #tpu.memory_space<hbm>>
      tpu.wait_dma2 semaphore(%run_scoped3A : memref<!tpu.dma_semaphore, #tpu.memory_space<semaphore_mem>>) src(%dma_wait3A_12 : memref<8x512xi32, #tpu.memory_space<hbm>>) dst(%arg4 : memref<8x512xi32, #tpu.memory_space<vmem>>)
      tpu.yield
    }) : () -> ()
    %scan3A = arith.constant 0 : i32
    %scan3A_3 = arith.constant 32 : i32
    %scan3A_4 = arith.addi %scan3A, %scan3A_3 : i32
    %scan3A_5 = arith.constant 1 : i32
    scf.for %scan3A_7 = %scan3A to %scan3A_4 step %scan3A_5  : i32 {
      %mul3A_8 = arith.constant 16 : i32
      %mul3A_9 = arith.muli %scan3A_7, %mul3A_8 : i32
      %broadcast_in_dim3A = arith.constant 0 : i32
      %broadcast_in_dim3A_10 = vector.broadcast %broadcast_in_dim3A : i32 to vector<16xi32>
      %get3A = arith.constant 6 : i32
      %get3A_11 = arith.index_cast %get3A : i32 to index
      %get3A_12 = arith.index_cast %mul3A_9 : i32 to index
      %get3A_13 = tpu.vector_load %arg4[%get3A_11, %get3A_12] {strides = array<i32>} : memref<8x512xi32, #tpu.memory_space<vmem>>, vector<1x16xi32>,
      %get3A_14 = vector.shape_cast %get3A_13 : vector<1x16xi32> to vector<16xi32>
      %eq3A = arith.constant 0 : i32
      %eq3A_15 = vector.broadcast %eq3A : i32 to vector<16xi32>
      %eq3A_16 = arith.cmpi eq, %get3A_14, %eq3A_15 : vector<16xi32>
      %jit3A = arith.constant 1 : i32
      %jit3A_17 = arith.constant 0 : i32
      %broadcast_in_dim3A_18 = vector.broadcast %jit3A : i32 to vector<16xi32>
      %broadcast_in_dim3A_19 = vector.broadcast %jit3A_17 : i32 to vector<16xi32>
      %select_n3A = arith.select %eq3A_16, %broadcast_in_dim3A_18, %broadcast_in_dim3A_19 : vector<16xi1>, vector<16xi32>
      %get3A_20 = arith.constant 0 : i32
      %get3A_21 = arith.index_cast %get3A_20 : i32 to index
      %get3A_22 = arith.index_cast %mul3A_9 : i32 to index
      %get3A_23 = tpu.vector_load %arg4[%get3A_21, %get3A_22] {strides = array<i32>} : memref<8x512xi32, #tpu.memory_space<vmem>>, vector<1x16xi32>,
      %get3A_24 = vector.shape_cast %get3A_23 : vector<1x16xi32> to vector<16xi32>
      %lt3A = arith.constant 60 : i32
      %lt3A_25 = vector.broadcast %lt3A : i32 to vector<16xi32>
      %lt3A_26 = arith.cmpi slt, %get3A_24, %lt3A_25 : vector<16xi32>
      %jit3A_27 = arith.constant 1 : i32
      %jit3A_28 = arith.constant 0 : i32
      %broadcast_in_dim3A_29 = vector.broadcast %jit3A_27 : i32 to vector<16xi32>
      %broadcast_in_dim3A_30 = vector.broadcast %jit3A_28 : i32 to vector<16xi32>
      %select_n3A_31 = arith.select %lt3A_26, %broadcast_in_dim3A_29, %broadcast_in_dim3A_30 : vector<16xi1>, vector<16xi32>
      %mul3A_32 = arith.muli %select_n3A, %select_n3A_31 : vector<16xi32>
      %sub3A = arith.constant 1 : i32
      %sub3A_33 = vector.broadcast %sub3A : i32 to vector<16xi32>
      %sub3A_34 = arith.subi %sub3A_33, %select_n3A : vector<16xi32>
      %sub3A_35 = arith.constant 1 : i32
      %sub3A_36 = vector.broadcast %sub3A_35 : i32 to vector<16xi32>
      %sub3A_37 = arith.subi %sub3A_36, %select_n3A_31 : vector<16xi32>
      %mul3A_38 = arith.muli %sub3A_34, %sub3A_37 : vector<16xi32>
      %add3A_39 = arith.addi %mul3A_32, %mul3A_38 : vector<16xi32>
      %sub3A_40 = arith.constant 1 : i32
      %sub3A_41 = vector.broadcast %sub3A_40 : i32 to vector<16xi32>
      %sub3A_42 = arith.subi %sub3A_41, %add3A_39 : vector<16xi32>
      %eq3A_43 = arith.constant 0 : i32
      %eq3A_44 = vector.broadcast %eq3A_43 : i32 to vector<16xi32>
      %eq3A_45 = arith.cmpi eq, %broadcast_in_dim3A_10, %eq3A_44 : vector<16xi32>
      %jit3A_46 = arith.constant 1 : i32
      %jit3A_47 = arith.constant 0 : i32
      %broadcast_in_dim3A_48 = vector.broadcast %jit3A_46 : i32 to vector<16xi32>
      %broadcast_in_dim3A_49 = vector.broadcast %jit3A_47 : i32 to vector<16xi32>
      %select_n3A_50 = arith.select %eq3A_45, %broadcast_in_dim3A_48, %broadcast_in_dim3A_49 : vector<16xi1>, vector<16xi32>
      %mul3A_51 = arith.muli %add3A_39, %select_n3A_50 : vector<16xi32>
      %mul3A_52 = arith.muli %mul3A_51, %get3A_24 : vector<16xi32>
      %add3A_53 = arith.addi %broadcast_in_dim3A_10, %mul3A_52 : vector<16xi32>
      %eq3A_54 = arith.constant 1 : i32
      %eq3A_55 = vector.broadcast %eq3A_54 : i32 to vector<16xi32>
      %eq3A_56 = arith.cmpi eq, %broadcast_in_dim3A_10, %eq3A_55 : vector<16xi32>
      %jit3A_57 = arith.constant 1 : i32
      %jit3A_58 = arith.constant 0 : i32
      %broadcast_in_dim3A_59 = vector.broadcast %jit3A_57 : i32 to vector<16xi32>
      %broadcast_in_dim3A_60 = vector.broadcast %jit3A_58 : i32 to vector<16xi32>
      %select_n3A_61 = arith.select %eq3A_56, %broadcast_in_dim3A_59, %broadcast_in_dim3A_60 : vector<16xi1>, vector<16xi32>
      %mul3A_62 = arith.muli %add3A_39, %select_n3A_61 : vector<16xi32>
      %mul3A_63 = arith.muli %mul3A_62, %get3A_24 : vector<16xi32>
      %add3A_64 = arith.addi %broadcast_in_dim3A_10, %mul3A_63 : vector<16xi32>
      %eq3A_65 = arith.constant 2 : i32
      %eq3A_66 = vector.broadcast %eq3A_65 : i32 to vector<16xi32>
      %eq3A_67 = arith.cmpi eq, %broadcast_in_dim3A_10, %eq3A_66 : vector<16xi32>
      %jit3A_68 = arith.constant 1 : i32
      %jit3A_69 = arith.constant 0 : i32
      %broadcast_in_dim3A_70 = vector.broadcast %jit3A_68 : i32 to vector<16xi32>
      %broadcast_in_dim3A_71 = vector.broadcast %jit3A_69 : i32 to vector<16xi32>
      %select_n3A_72 = arith.select %eq3A_67, %broadcast_in_dim3A_70, %broadcast_in_dim3A_71 : vector<16xi1>, vector<16xi32>
      %mul3A_73 = arith.muli %add3A_39, %select_n3A_72 : vector<16xi32>
      %mul3A_74 = arith.muli %mul3A_73, %get3A_24 : vector<16xi32>
      %add3A_75 = arith.addi %broadcast_in_dim3A_10, %mul3A_74 : vector<16xi32>
      %add3A_76 = arith.addi %broadcast_in_dim3A_10, %add3A_39 : vector<16xi32>
      %eq3A_77 = arith.constant 0 : i32
      %eq3A_78 = vector.broadcast %eq3A_77 : i32 to vector<16xi32>
      %eq3A_79 = arith.cmpi eq, %broadcast_in_dim3A_10, %eq3A_78 : vector<16xi32>
      %jit3A_80 = arith.constant 1 : i32
      %jit3A_81 = arith.constant 0 : i32
      %broadcast_in_dim3A_82 = vector.broadcast %jit3A_80 : i32 to vector<16xi32>
      %broadcast_in_dim3A_83 = vector.broadcast %jit3A_81 : i32 to vector<16xi32>
      %select_n3A_84 = arith.select %eq3A_79, %broadcast_in_dim3A_82, %broadcast_in_dim3A_83 : vector<16xi1>, vector<16xi32>
      %mul3A_85 = arith.muli %sub3A_42, %select_n3A_84 : vector<16xi32>
      %mul3A_86 = arith.muli %mul3A_85, %get3A_24 : vector<16xi32>
      %add3A_87 = arith.addi %broadcast_in_dim3A_10, %mul3A_86 : vector<16xi32>
      %eq3A_88 = arith.constant 1 : i32
      %eq3A_89 = vector.broadcast %eq3A_88 : i32 to vector<16xi32>
      %eq3A_90 = arith.cmpi eq, %broadcast_in_dim3A_10, %eq3A_89 : vector<16xi32>
      %jit3A_91 = arith.constant 1 : i32
      %jit3A_92 = arith.constant 0 : i32
      %broadcast_in_dim3A_93 = vector.broadcast %jit3A_91 : i32 to vector<16xi32>
      %broadcast_in_dim3A_94 = vector.broadcast %jit3A_92 : i32 to vector<16xi32>
      %select_n3A_95 = arith.select %eq3A_90, %broadcast_in_dim3A_93, %broadcast_in_dim3A_94 : vector<16xi1>, vector<16xi32>
      %mul3A_96 = arith.muli %sub3A_42, %select_n3A_95 : vector<16xi32>
      %mul3A_97 = arith.muli %mul3A_96, %get3A_24 : vector<16xi32>
      %add3A_98 = arith.addi %broadcast_in_dim3A_10, %mul3A_97 : vector<16xi32>
      %eq3A_99 = arith.constant 2 : i32
      %eq3A_100 = vector.broadcast %eq3A_99 : i32 to vector<16xi32>
      %eq3A_101 = arith.cmpi eq, %broadcast_in_dim3A_10, %eq3A_100 : vector<16xi32>
      %jit3A_102 = arith.constant 1 : i32
      %jit3A_103 = arith.constant 0 : i32
      %broadcast_in_dim3A_104 = vector.broadcast %jit3A_102 : i32 to vector<16xi32>
      %broadcast_in_dim3A_105 = vector.broadcast %jit3A_103 : i32 to vector<16xi32>
      %select_n3A_106 = arith.select %eq3A_101, %broadcast_in_dim3A_104, %broadcast_in_dim3A_105 : vector<16xi1>, vector<16xi32>
      %mul3A_107 = arith.muli %sub3A_42, %select_n3A_106 : vector<16xi32>
      %mul3A_108 = arith.muli %mul3A_107, %get3A_24 : vector<16xi32>
      %add3A_109 = arith.addi %broadcast_in_dim3A_10, %mul3A_108 : vector<16xi32>
      %add3A_110 = arith.addi %broadcast_in_dim3A_10, %sub3A_42 : vector<16xi32>
      %get3A_111 = arith.constant 1 : i32
      %get3A_112 = arith.index_cast %get3A_111 : i32 to index
      %get3A_113 = arith.index_cast %mul3A_9 : i32 to index
      %get3A_114 = tpu.vector_load %arg4[%get3A_112, %get3A_113] {strides = array<i32>} : memref<8x512xi32, #tpu.memory_space<vmem>>, vector<1x16xi32>,
      %get3A_115 = vector.shape_cast %get3A_114 : vector<1x16xi32> to vector<16xi32>
      %lt3A_116 = arith.constant 60 : i32
      %lt3A_117 = vector.broadcast %lt3A_116 : i32 to vector<16xi32>
      %lt3A_118 = arith.cmpi slt, %get3A_115, %lt3A_117 : vector<16xi32>
      %jit3A_119 = arith.constant 1 : i32
      %jit3A_120 = arith.constant 0 : i32
      %broadcast_in_dim3A_121 = vector.broadcast %jit3A_119 : i32 to vector<16xi32>
      %broadcast_in_dim3A_122 = vector.broadcast %jit3A_120 : i32 to vector<16xi32>
      %select_n3A_123 = arith.select %lt3A_118, %broadcast_in_dim3A_121, %broadcast_in_dim3A_122 : vector<16xi1>, vector<16xi32>
      %mul3A_124 = arith.muli %select_n3A, %select_n3A_123 : vector<16xi32>
      %sub3A_125 = arith.constant 1 : i32
      %sub3A_126 = vector.broadcast %sub3A_125 : i32 to vector<16xi32>
      %sub3A_127 = arith.subi %sub3A_126, %select_n3A : vector<16xi32>
      %sub3A_128 = arith.constant 1 : i32
      %sub3A_129 = vector.broadcast %sub3A_128 : i32 to vector<16xi32>
      %sub3A_130 = arith.subi %sub3A_129, %select_n3A_123 : vector<16xi32>
      %mul3A_131 = arith.muli %sub3A_127, %sub3A_130 : vector<16xi32>
      %add3A_132 = arith.addi %mul3A_124, %mul3A_131 : vector<16xi32>
      %sub3A_133 = arith.constant 1 : i32
      %sub3A_134 = vector.broadcast %sub3A_133 : i32 to vector<16xi32>
      %sub3A_135 = arith.subi %sub3A_134, %add3A_132 : vector<16xi32>
      %eq3A_136 = arith.constant 0 : i32
      %eq3A_137 = vector.broadcast %eq3A_136 : i32 to vector<16xi32>
      %eq3A_138 = arith.cmpi eq, %add3A_76, %eq3A_137 : vector<16xi32>
      %jit3A_139 = arith.constant 1 : i32
      %jit3A_140 = arith.constant 0 : i32
      %broadcast_in_dim3A_141 = vector.broadcast %jit3A_139 : i32 to vector<16xi32>
      %broadcast_in_dim3A_142 = vector.broadcast %jit3A_140 : i32 to vector<16xi32>
      %select_n3A_143 = arith.select %eq3A_138, %broadcast_in_dim3A_141, %broadcast_in_dim3A_142 : vector<16xi1>, vector<16xi32>
      %mul3A_144 = arith.muli %add3A_132, %select_n3A_143 : vector<16xi32>
      %mul3A_145 = arith.muli %mul3A_144, %get3A_115 : vector<16xi32>
      %add3A_146 = arith.addi %add3A_53, %mul3A_145 : vector<16xi32>
      %eq3A_147 = arith.constant 1 : i32
      %eq3A_148 = vector.broadcast %eq3A_147 : i32 to vector<16xi32>
      %eq3A_149 = arith.cmpi eq, %add3A_76, %eq3A_148 : vector<16xi32>
      %jit3A_150 = arith.constant 1 : i32
      %jit3A_151 = arith.constant 0 : i32
      %broadcast_in_dim3A_152 = vector.broadcast %jit3A_150 : i32 to vector<16xi32>
      %broadcast_in_dim3A_153 = vector.broadcast %jit3A_151 : i32 to vector<16xi32>
      %select_n3A_154 = arith.select %eq3A_149, %broadcast_in_dim3A_152, %broadcast_in_dim3A_153 : vector<16xi1>, vector<16xi32>
      %mul3A_155 = arith.muli %add3A_132, %select_n3A_154 : vector<16xi32>
      %mul3A_156 = arith.muli %mul3A_155, %get3A_115 : vector<16xi32>
      %add3A_157 = arith.addi %add3A_64, %mul3A_156 : vector<16xi32>
      %eq3A_158 = arith.constant 2 : i32
      %eq3A_159 = vector.broadcast %eq3A_158 : i32 to vector<16xi32>
      %eq3A_160 = arith.cmpi eq, %add3A_76, %eq3A_159 : vector<16xi32>
      %jit3A_161 = arith.constant 1 : i32
      %jit3A_162 = arith.constant 0 : i32
      %broadcast_in_dim3A_163 = vector.broadcast %jit3A_161 : i32 to vector<16xi32>
      %broadcast_in_dim3A_164 = vector.broadcast %jit3A_162 : i32 to vector<16xi32>
      %select_n3A_165 = arith.select %eq3A_160, %broadcast_in_dim3A_163, %broadcast_in_dim3A_164 : vector<16xi1>, vector<16xi32>
      %mul3A_166 = arith.muli %add3A_132, %select_n3A_165 : vector<16xi32>
      %mul3A_167 = arith.muli %mul3A_166, %get3A_115 : vector<16xi32>
      %add3A_168 = arith.addi %add3A_75, %mul3A_167 : vector<16xi32>
      %add3A_169 = arith.addi %add3A_76, %add3A_132 : vector<16xi32>
      %eq3A_170 = arith.constant 0 : i32
      %eq3A_171 = vector.broadcast %eq3A_170 : i32 to vector<16xi32>
      %eq3A_172 = arith.cmpi eq, %add3A_110, %eq3A_171 : vector<16xi32>
      %jit3A_173 = arith.constant 1 : i32
      %jit3A_174 = arith.constant 0 : i32
      %broadcast_in_dim3A_175 = vector.broadcast %jit3A_173 : i32 to vector<16xi32>
      %broadcast_in_dim3A_176 = vector.broadcast %jit3A_174 : i32 to vector<16xi32>
      %select_n3A_177 = arith.select %eq3A_172, %broadcast_in_dim3A_175, %broadcast_in_dim3A_176 : vector<16xi1>, vector<16xi32>
      %mul3A_178 = arith.muli %sub3A_135, %select_n3A_177 : vector<16xi32>
      %mul3A_179 = arith.muli %mul3A_178, %get3A_115 : vector<16xi32>
      %add3A_180 = arith.addi %add3A_87, %mul3A_179 : vector<16xi32>
      %eq3A_181 = arith.constant 1 : i32
      %eq3A_182 = vector.broadcast %eq3A_181 : i32 to vector<16xi32>
      %eq3A_183 = arith.cmpi eq, %add3A_110, %eq3A_182 : vector<16xi32>
      %jit3A_184 = arith.constant 1 : i32
      %jit3A_185 = arith.constant 0 : i32
      %broadcast_in_dim3A_186 = vector.broadcast %jit3A_184 : i32 to vector<16xi32>
      %broadcast_in_dim3A_187 = vector.broadcast %jit3A_185 : i32 to vector<16xi32>
      %select_n3A_188 = arith.select %eq3A_183, %broadcast_in_dim3A_186, %broadcast_in_dim3A_187 : vector<16xi1>, vector<16xi32>
      %mul3A_189 = arith.muli %sub3A_135, %select_n3A_188 : vector<16xi32>
      %mul3A_190 = arith.muli %mul3A_189, %get3A_115 : vector<16xi32>
      %add3A_191 = arith.addi %add3A_98, %mul3A_190 : vector<16xi32>
      %eq3A_192 = arith.constant 2 : i32
      %eq3A_193 = vector.broadcast %eq3A_192 : i32 to vector<16xi32>
      %eq3A_194 = arith.cmpi eq, %add3A_110, %eq3A_193 : vector<16xi32>
      %jit3A_195 = arith.constant 1 : i32
      %jit3A_196 = arith.constant 0 : i32
      %broadcast_in_dim3A_197 = vector.broadcast %jit3A_195 : i32 to vector<16xi32>
      %broadcast_in_dim3A_198 = vector.broadcast %jit3A_196 : i32 to vector<16xi32>
      %select_n3A_199 = arith.select %eq3A_194, %broadcast_in_dim3A_197, %broadcast_in_dim3A_198 : vector<16xi1>, vector<16xi32>
      %mul3A_200 = arith.muli %sub3A_135, %select_n3A_199 : vector<16xi32>
      %mul3A_201 = arith.muli %mul3A_200, %get3A_115 : vector<16xi32>
      %add3A_202 = arith.addi %add3A_109, %mul3A_201 : vector<16xi32>
      %add3A_203 = arith.addi %add3A_110, %sub3A_135 : vector<16xi32>
      %get3A_204 = arith.constant 2 : i32
      %get3A_205 = arith.index_cast %get3A_204 : i32 to index
      %get3A_206 = arith.index_cast %mul3A_9 : i32 to index
      %get3A_207 = tpu.vector_load %arg4[%get3A_205, %get3A_206] {strides = array<i32>} : memref<8x512xi32, #tpu.memory_space<vmem>>, vector<1x16xi32>,
      %get3A_208 = vector.shape_cast %get3A_207 : vector<1x16xi32> to vector<16xi32>
      %lt3A_209 = arith.constant 60 : i32
      %lt3A_210 = vector.broadcast %lt3A_209 : i32 to vector<16xi32>
      %lt3A_211 = arith.cmpi slt, %get3A_208, %lt3A_210 : vector<16xi32>
      %jit3A_212 = arith.constant 1 : i32
      %jit3A_213 = arith.constant 0 : i32
      %broadcast_in_dim3A_214 = vector.broadcast %jit3A_212 : i32 to vector<16xi32>
      %broadcast_in_dim3A_215 = vector.broadcast %jit3A_213 : i32 to vector<16xi32>
      %select_n3A_216 = arith.select %lt3A_211, %broadcast_in_dim3A_214, %broadcast_in_dim3A_215 : vector<16xi1>, vector<16xi32>
      %mul3A_217 = arith.muli %select_n3A, %select_n3A_216 : vector<16xi32>
      %sub3A_218 = arith.constant 1 : i32
      %sub3A_219 = vector.broadcast %sub3A_218 : i32 to vector<16xi32>
      %sub3A_220 = arith.subi %sub3A_219, %select_n3A : vector<16xi32>
      %sub3A_221 = arith.constant 1 : i32
      %sub3A_222 = vector.broadcast %sub3A_221 : i32 to vector<16xi32>
      %sub3A_223 = arith.subi %sub3A_222, %select_n3A_216 : vector<16xi32>
      %mul3A_224 = arith.muli %sub3A_220, %sub3A_223 : vector<16xi32>
      %add3A_225 = arith.addi %mul3A_217, %mul3A_224 : vector<16xi32>
      %sub3A_226 = arith.constant 1 : i32
      %sub3A_227 = vector.broadcast %sub3A_226 : i32 to vector<16xi32>
      %sub3A_228 = arith.subi %sub3A_227, %add3A_225 : vector<16xi32>
      %eq3A_229 = arith.constant 0 : i32
      %eq3A_230 = vector.broadcast %eq3A_229 : i32 to vector<16xi32>
      %eq3A_231 = arith.cmpi eq, %add3A_169, %eq3A_230 : vector<16xi32>
      %jit3A_232 = arith.constant 1 : i32
      %jit3A_233 = arith.constant 0 : i32
      %broadcast_in_dim3A_234 = vector.broadcast %jit3A_232 : i32 to vector<16xi32>
      %broadcast_in_dim3A_235 = vector.broadcast %jit3A_233 : i32 to vector<16xi32>
      %select_n3A_236 = arith.select %eq3A_231, %broadcast_in_dim3A_234, %broadcast_in_dim3A_235 : vector<16xi1>, vector<16xi32>
      %mul3A_237 = arith.muli %add3A_225, %select_n3A_236 : vector<16xi32>
      %mul3A_238 = arith.muli %mul3A_237, %get3A_208 : vector<16xi32>
      %add3A_239 = arith.addi %add3A_146, %mul3A_238 : vector<16xi32>
      %eq3A_240 = arith.constant 1 : i32
      %eq3A_241 = vector.broadcast %eq3A_240 : i32 to vector<16xi32>
      %eq3A_242 = arith.cmpi eq, %add3A_169, %eq3A_241 : vector<16xi32>
      %jit3A_243 = arith.constant 1 : i32
      %jit3A_244 = arith.constant 0 : i32
      %broadcast_in_dim3A_245 = vector.broadcast %jit3A_243 : i32 to vector<16xi32>
      %broadcast_in_dim3A_246 = vector.broadcast %jit3A_244 : i32 to vector<16xi32>
      %select_n3A_247 = arith.select %eq3A_242, %broadcast_in_dim3A_245, %broadcast_in_dim3A_246 : vector<16xi1>, vector<16xi32>
      %mul3A_248 = arith.muli %add3A_225, %select_n3A_247 : vector<16xi32>
      %mul3A_249 = arith.muli %mul3A_248, %get3A_208 : vector<16xi32>
      %add3A_250 = arith.addi %add3A_157, %mul3A_249 : vector<16xi32>
      %eq3A_251 = arith.constant 2 : i32
      %eq3A_252 = vector.broadcast %eq3A_251 : i32 to vector<16xi32>
      %eq3A_253 = arith.cmpi eq, %add3A_169, %eq3A_252 : vector<16xi32>
      %jit3A_254 = arith.constant 1 : i32
      %jit3A_255 = arith.constant 0 : i32
      %broadcast_in_dim3A_256 = vector.broadcast %jit3A_254 : i32 to vector<16xi32>
      %broadcast_in_dim3A_257 = vector.broadcast %jit3A_255 : i32 to vector<16xi32>
      %select_n3A_258 = arith.select %eq3A_253, %broadcast_in_dim3A_256, %broadcast_in_dim3A_257 : vector<16xi1>, vector<16xi32>
      %mul3A_259 = arith.muli %add3A_225, %select_n3A_258 : vector<16xi32>
      %mul3A_260 = arith.muli %mul3A_259, %get3A_208 : vector<16xi32>
      %add3A_261 = arith.addi %add3A_168, %mul3A_260 : vector<16xi32>
      %add3A_262 = arith.addi %add3A_169, %add3A_225 : vector<16xi32>
      %eq3A_263 = arith.constant 0 : i32
      %eq3A_264 = vector.broadcast %eq3A_263 : i32 to vector<16xi32>
      %eq3A_265 = arith.cmpi eq, %add3A_203, %eq3A_264 : vector<16xi32>
      %jit3A_266 = arith.constant 1 : i32
      %jit3A_267 = arith.constant 0 : i32
      %broadcast_in_dim3A_268 = vector.broadcast %jit3A_266 : i32 to vector<16xi32>
      %broadcast_in_dim3A_269 = vector.broadcast %jit3A_267 : i32 to vector<16xi32>
      %select_n3A_270 = arith.select %eq3A_265, %broadcast_in_dim3A_268, %broadcast_in_dim3A_269 : vector<16xi1>, vector<16xi32>
      %mul3A_271 = arith.muli %sub3A_228, %select_n3A_270 : vector<16xi32>
      %mul3A_272 = arith.muli %mul3A_271, %get3A_208 : vector<16xi32>
      %add3A_273 = arith.addi %add3A_180, %mul3A_272 : vector<16xi32>
      %eq3A_274 = arith.constant 1 : i32
      %eq3A_275 = vector.broadcast %eq3A_274 : i32 to vector<16xi32>
      %eq3A_276 = arith.cmpi eq, %add3A_203, %eq3A_275 : vector<16xi32>
      %jit3A_277 = arith.constant 1 : i32
      %jit3A_278 = arith.constant 0 : i32
      %broadcast_in_dim3A_279 = vector.broadcast %jit3A_277 : i32 to vector<16xi32>
      %broadcast_in_dim3A_280 = vector.broadcast %jit3A_278 : i32 to vector<16xi32>
      %select_n3A_281 = arith.select %eq3A_276, %broadcast_in_dim3A_279, %broadcast_in_dim3A_280 : vector<16xi1>, vector<16xi32>
      %mul3A_282 = arith.muli %sub3A_228, %select_n3A_281 : vector<16xi32>
      %mul3A_283 = arith.muli %mul3A_282, %get3A_208 : vector<16xi32>
      %add3A_284 = arith.addi %add3A_191, %mul3A_283 : vector<16xi32>
      %eq3A_285 = arith.constant 2 : i32
      %eq3A_286 = vector.broadcast %eq3A_285 : i32 to vector<16xi32>
      %eq3A_287 = arith.cmpi eq, %add3A_203, %eq3A_286 : vector<16xi32>
      %jit3A_288 = arith.constant 1 : i32
      %jit3A_289 = arith.constant 0 : i32
      %broadcast_in_dim3A_290 = vector.broadcast %jit3A_288 : i32 to vector<16xi32>
      %broadcast_in_dim3A_291 = vector.broadcast %jit3A_289 : i32 to vector<16xi32>
      %select_n3A_292 = arith.select %eq3A_287, %broadcast_in_dim3A_290, %broadcast_in_dim3A_291 : vector<16xi1>, vector<16xi32>
      %mul3A_293 = arith.muli %sub3A_228, %select_n3A_292 : vector<16xi32>
      %mul3A_294 = arith.muli %mul3A_293, %get3A_208 : vector<16xi32>
      %add3A_295 = arith.addi %add3A_202, %mul3A_294 : vector<16xi32>
      %add3A_296 = arith.addi %add3A_203, %sub3A_228 : vector<16xi32>
      %get3A_297 = arith.constant 3 : i32
      %get3A_298 = arith.index_cast %get3A_297 : i32 to index
      %get3A_299 = arith.index_cast %mul3A_9 : i32 to index
      %get3A_300 = tpu.vector_load %arg4[%get3A_298, %get3A_299] {strides = array<i32>} : memref<8x512xi32, #tpu.memory_space<vmem>>, vector<1x16xi32>,
      %get3A_301 = vector.shape_cast %get3A_300 : vector<1x16xi32> to vector<16xi32>
      %lt3A_302 = arith.constant 60 : i32
      %lt3A_303 = vector.broadcast %lt3A_302 : i32 to vector<16xi32>
      %lt3A_304 = arith.cmpi slt, %get3A_301, %lt3A_303 : vector<16xi32>
      %jit3A_305 = arith.constant 1 : i32
      %jit3A_306 = arith.constant 0 : i32
      %broadcast_in_dim3A_307 = vector.broadcast %jit3A_305 : i32 to vector<16xi32>
      %broadcast_in_dim3A_308 = vector.broadcast %jit3A_306 : i32 to vector<16xi32>
      %select_n3A_309 = arith.select %lt3A_304, %broadcast_in_dim3A_307, %broadcast_in_dim3A_308 : vector<16xi1>, vector<16xi32>
      %mul3A_310 = arith.muli %select_n3A, %select_n3A_309 : vector<16xi32>
      %sub3A_311 = arith.constant 1 : i32
      %sub3A_312 = vector.broadcast %sub3A_311 : i32 to vector<16xi32>
      %sub3A_313 = arith.subi %sub3A_312, %select_n3A : vector<16xi32>
      %sub3A_314 = arith.constant 1 : i32
      %sub3A_315 = vector.broadcast %sub3A_314 : i32 to vector<16xi32>
      %sub3A_316 = arith.subi %sub3A_315, %select_n3A_309 : vector<16xi32>
      %mul3A_317 = arith.muli %sub3A_313, %sub3A_316 : vector<16xi32>
      %add3A_318 = arith.addi %mul3A_310, %mul3A_317 : vector<16xi32>
      %sub3A_319 = arith.constant 1 : i32
      %sub3A_320 = vector.broadcast %sub3A_319 : i32 to vector<16xi32>
      %sub3A_321 = arith.subi %sub3A_320, %add3A_318 : vector<16xi32>
      %eq3A_322 = arith.constant 0 : i32
      %eq3A_323 = vector.broadcast %eq3A_322 : i32 to vector<16xi32>
      %eq3A_324 = arith.cmpi eq, %add3A_262, %eq3A_323 : vector<16xi32>
      %jit3A_325 = arith.constant 1 : i32
      %jit3A_326 = arith.constant 0 : i32
      %broadcast_in_dim3A_327 = vector.broadcast %jit3A_325 : i32 to vector<16xi32>
      %broadcast_in_dim3A_328 = vector.broadcast %jit3A_326 : i32 to vector<16xi32>
      %select_n3A_329 = arith.select %eq3A_324, %broadcast_in_dim3A_327, %broadcast_in_dim3A_328 : vector<16xi1>, vector<16xi32>
      %mul3A_330 = arith.muli %add3A_318, %select_n3A_329 : vector<16xi32>
      %mul3A_331 = arith.muli %mul3A_330, %get3A_301 : vector<16xi32>
      %add3A_332 = arith.addi %add3A_239, %mul3A_331 : vector<16xi32>
      %eq3A_333 = arith.constant 1 : i32
      %eq3A_334 = vector.broadcast %eq3A_333 : i32 to vector<16xi32>
      %eq3A_335 = arith.cmpi eq, %add3A_262, %eq3A_334 : vector<16xi32>
      %jit3A_336 = arith.constant 1 : i32
      %jit3A_337 = arith.constant 0 : i32
      %broadcast_in_dim3A_338 = vector.broadcast %jit3A_336 : i32 to vector<16xi32>
      %broadcast_in_dim3A_339 = vector.broadcast %jit3A_337 : i32 to vector<16xi32>
      %select_n3A_340 = arith.select %eq3A_335, %broadcast_in_dim3A_338, %broadcast_in_dim3A_339 : vector<16xi1>, vector<16xi32>
      %mul3A_341 = arith.muli %add3A_318, %select_n3A_340 : vector<16xi32>
      %mul3A_342 = arith.muli %mul3A_341, %get3A_301 : vector<16xi32>
      %add3A_343 = arith.addi %add3A_250, %mul3A_342 : vector<16xi32>
      %eq3A_344 = arith.constant 2 : i32
      %eq3A_345 = vector.broadcast %eq3A_344 : i32 to vector<16xi32>
      %eq3A_346 = arith.cmpi eq, %add3A_262, %eq3A_345 : vector<16xi32>
      %jit3A_347 = arith.constant 1 : i32
      %jit3A_348 = arith.constant 0 : i32
      %broadcast_in_dim3A_349 = vector.broadcast %jit3A_347 : i32 to vector<16xi32>
      %broadcast_in_dim3A_350 = vector.broadcast %jit3A_348 : i32 to vector<16xi32>
      %select_n3A_351 = arith.select %eq3A_346, %broadcast_in_dim3A_349, %broadcast_in_dim3A_350 : vector<16xi1>, vector<16xi32>
      %mul3A_352 = arith.muli %add3A_318, %select_n3A_351 : vector<16xi32>
      %mul3A_353 = arith.muli %mul3A_352, %get3A_301 : vector<16xi32>
      %add3A_354 = arith.addi %add3A_261, %mul3A_353 : vector<16xi32>
      %add3A_355 = arith.addi %add3A_262, %add3A_318 : vector<16xi32>
      %eq3A_356 = arith.constant 0 : i32
      %eq3A_357 = vector.broadcast %eq3A_356 : i32 to vector<16xi32>
      %eq3A_358 = arith.cmpi eq, %add3A_296, %eq3A_357 : vector<16xi32>
      %jit3A_359 = arith.constant 1 : i32
      %jit3A_360 = arith.constant 0 : i32
      %broadcast_in_dim3A_361 = vector.broadcast %jit3A_359 : i32 to vector<16xi32>
      %broadcast_in_dim3A_362 = vector.broadcast %jit3A_360 : i32 to vector<16xi32>
      %select_n3A_363 = arith.select %eq3A_358, %broadcast_in_dim3A_361, %broadcast_in_dim3A_362 : vector<16xi1>, vector<16xi32>
      %mul3A_364 = arith.muli %sub3A_321, %select_n3A_363 : vector<16xi32>
      %mul3A_365 = arith.muli %mul3A_364, %get3A_301 : vector<16xi32>
      %add3A_366 = arith.addi %add3A_273, %mul3A_365 : vector<16xi32>
      %eq3A_367 = arith.constant 1 : i32
      %eq3A_368 = vector.broadcast %eq3A_367 : i32 to vector<16xi32>
      %eq3A_369 = arith.cmpi eq, %add3A_296, %eq3A_368 : vector<16xi32>
      %jit3A_370 = arith.constant 1 : i32
      %jit3A_371 = arith.constant 0 : i32
      %broadcast_in_dim3A_372 = vector.broadcast %jit3A_370 : i32 to vector<16xi32>
      %broadcast_in_dim3A_373 = vector.broadcast %jit3A_371 : i32 to vector<16xi32>
      %select_n3A_374 = arith.select %eq3A_369, %broadcast_in_dim3A_372, %broadcast_in_dim3A_373 : vector<16xi1>, vector<16xi32>
      %mul3A_375 = arith.muli %sub3A_321, %select_n3A_374 : vector<16xi32>
      %mul3A_376 = arith.muli %mul3A_375, %get3A_301 : vector<16xi32>
      %add3A_377 = arith.addi %add3A_284, %mul3A_376 : vector<16xi32>
      %eq3A_378 = arith.constant 2 : i32
      %eq3A_379 = vector.broadcast %eq3A_378 : i32 to vector<16xi32>
      %eq3A_380 = arith.cmpi eq, %add3A_296, %eq3A_379 : vector<16xi32>
      %jit3A_381 = arith.constant 1 : i32
      %jit3A_382 = arith.constant 0 : i32
      %broadcast_in_dim3A_383 = vector.broadcast %jit3A_381 : i32 to vector<16xi32>
      %broadcast_in_dim3A_384 = vector.broadcast %jit3A_382 : i32 to vector<16xi32>
      %select_n3A_385 = arith.select %eq3A_380, %broadcast_in_dim3A_383, %broadcast_in_dim3A_384 : vector<16xi1>, vector<16xi32>
      %mul3A_386 = arith.muli %sub3A_321, %select_n3A_385 : vector<16xi32>
      %mul3A_387 = arith.muli %mul3A_386, %get3A_301 : vector<16xi32>
      %add3A_388 = arith.addi %add3A_295, %mul3A_387 : vector<16xi32>
      %add3A_389 = arith.addi %add3A_296, %sub3A_321 : vector<16xi32>
      %get3A_390 = arith.constant 4 : i32
      %get3A_391 = arith.index_cast %get3A_390 : i32 to index
      %get3A_392 = arith.index_cast %mul3A_9 : i32 to index
      %get3A_393 = tpu.vector_load %arg4[%get3A_391, %get3A_392] {strides = array<i32>} : memref<8x512xi32, #tpu.memory_space<vmem>>, vector<1x16xi32>,
      %get3A_394 = vector.shape_cast %get3A_393 : vector<1x16xi32> to vector<16xi32>
      %lt3A_395 = arith.constant 60 : i32
      %lt3A_396 = vector.broadcast %lt3A_395 : i32 to vector<16xi32>
      %lt3A_397 = arith.cmpi slt, %get3A_394, %lt3A_396 : vector<16xi32>
      %jit3A_398 = arith.constant 1 : i32
      %jit3A_399 = arith.constant 0 : i32
      %broadcast_in_dim3A_400 = vector.broadcast %jit3A_398 : i32 to vector<16xi32>
      %broadcast_in_dim3A_401 = vector.broadcast %jit3A_399 : i32 to vector<16xi32>
      %select_n3A_402 = arith.select %lt3A_397, %broadcast_in_dim3A_400, %broadcast_in_dim3A_401 : vector<16xi1>, vector<16xi32>
      %mul3A_403 = arith.muli %select_n3A, %select_n3A_402 : vector<16xi32>
      %sub3A_404 = arith.constant 1 : i32
      %sub3A_405 = vector.broadcast %sub3A_404 : i32 to vector<16xi32>
      %sub3A_406 = arith.subi %sub3A_405, %select_n3A : vector<16xi32>
      %sub3A_407 = arith.constant 1 : i32
      %sub3A_408 = vector.broadcast %sub3A_407 : i32 to vector<16xi32>
      %sub3A_409 = arith.subi %sub3A_408, %select_n3A_402 : vector<16xi32>
      %mul3A_410 = arith.muli %sub3A_406, %sub3A_409 : vector<16xi32>
      %add3A_411 = arith.addi %mul3A_403, %mul3A_410 : vector<16xi32>
      %sub3A_412 = arith.constant 1 : i32
      %sub3A_413 = vector.broadcast %sub3A_412 : i32 to vector<16xi32>
      %sub3A_414 = arith.subi %sub3A_413, %add3A_411 : vector<16xi32>
      %eq3A_415 = arith.constant 0 : i32
      %eq3A_416 = vector.broadcast %eq3A_415 : i32 to vector<16xi32>
      %eq3A_417 = arith.cmpi eq, %add3A_355, %eq3A_416 : vector<16xi32>
      %jit3A_418 = arith.constant 1 : i32
      %jit3A_419 = arith.constant 0 : i32
      %broadcast_in_dim3A_420 = vector.broadcast %jit3A_418 : i32 to vector<16xi32>
      %broadcast_in_dim3A_421 = vector.broadcast %jit3A_419 : i32 to vector<16xi32>
      %select_n3A_422 = arith.select %eq3A_417, %broadcast_in_dim3A_420, %broadcast_in_dim3A_421 : vector<16xi1>, vector<16xi32>
      %mul3A_423 = arith.muli %add3A_411, %select_n3A_422 : vector<16xi32>
      %mul3A_424 = arith.muli %mul3A_423, %get3A_394 : vector<16xi32>
      %add3A_425 = arith.addi %add3A_332, %mul3A_424 : vector<16xi32>
      %eq3A_426 = arith.constant 1 : i32
      %eq3A_427 = vector.broadcast %eq3A_426 : i32 to vector<16xi32>
      %eq3A_428 = arith.cmpi eq, %add3A_355, %eq3A_427 : vector<16xi32>
      %jit3A_429 = arith.constant 1 : i32
      %jit3A_430 = arith.constant 0 : i32
      %broadcast_in_dim3A_431 = vector.broadcast %jit3A_429 : i32 to vector<16xi32>
      %broadcast_in_dim3A_432 = vector.broadcast %jit3A_430 : i32 to vector<16xi32>
      %select_n3A_433 = arith.select %eq3A_428, %broadcast_in_dim3A_431, %broadcast_in_dim3A_432 : vector<16xi1>, vector<16xi32>
      %mul3A_434 = arith.muli %add3A_411, %select_n3A_433 : vector<16xi32>
      %mul3A_435 = arith.muli %mul3A_434, %get3A_394 : vector<16xi32>
      %add3A_436 = arith.addi %add3A_343, %mul3A_435 : vector<16xi32>
      %eq3A_437 = arith.constant 2 : i32
      %eq3A_438 = vector.broadcast %eq3A_437 : i32 to vector<16xi32>
      %eq3A_439 = arith.cmpi eq, %add3A_355, %eq3A_438 : vector<16xi32>
      %jit3A_440 = arith.constant 1 : i32
      %jit3A_441 = arith.constant 0 : i32
      %broadcast_in_dim3A_442 = vector.broadcast %jit3A_440 : i32 to vector<16xi32>
      %broadcast_in_dim3A_443 = vector.broadcast %jit3A_441 : i32 to vector<16xi32>
      %select_n3A_444 = arith.select %eq3A_439, %broadcast_in_dim3A_442, %broadcast_in_dim3A_443 : vector<16xi1>, vector<16xi32>
      %mul3A_445 = arith.muli %add3A_411, %select_n3A_444 : vector<16xi32>
      %mul3A_446 = arith.muli %mul3A_445, %get3A_394 : vector<16xi32>
      %add3A_447 = arith.addi %add3A_354, %mul3A_446 : vector<16xi32>
      %add3A_448 = arith.addi %add3A_355, %add3A_411 : vector<16xi32>
      %eq3A_449 = arith.constant 0 : i32
      %eq3A_450 = vector.broadcast %eq3A_449 : i32 to vector<16xi32>
      %eq3A_451 = arith.cmpi eq, %add3A_389, %eq3A_450 : vector<16xi32>
      %jit3A_452 = arith.constant 1 : i32
      %jit3A_453 = arith.constant 0 : i32
      %broadcast_in_dim3A_454 = vector.broadcast %jit3A_452 : i32 to vector<16xi32>
      %broadcast_in_dim3A_455 = vector.broadcast %jit3A_453 : i32 to vector<16xi32>
      %select_n3A_456 = arith.select %eq3A_451, %broadcast_in_dim3A_454, %broadcast_in_dim3A_455 : vector<16xi1>, vector<16xi32>
      %mul3A_457 = arith.muli %sub3A_414, %select_n3A_456 : vector<16xi32>
      %mul3A_458 = arith.muli %mul3A_457, %get3A_394 : vector<16xi32>
      %add3A_459 = arith.addi %add3A_366, %mul3A_458 : vector<16xi32>
      %eq3A_460 = arith.constant 1 : i32
      %eq3A_461 = vector.broadcast %eq3A_460 : i32 to vector<16xi32>
      %eq3A_462 = arith.cmpi eq, %add3A_389, %eq3A_461 : vector<16xi32>
      %jit3A_463 = arith.constant 1 : i32
      %jit3A_464 = arith.constant 0 : i32
      %broadcast_in_dim3A_465 = vector.broadcast %jit3A_463 : i32 to vector<16xi32>
      %broadcast_in_dim3A_466 = vector.broadcast %jit3A_464 : i32 to vector<16xi32>
      %select_n3A_467 = arith.select %eq3A_462, %broadcast_in_dim3A_465, %broadcast_in_dim3A_466 : vector<16xi1>, vector<16xi32>
      %mul3A_468 = arith.muli %sub3A_414, %select_n3A_467 : vector<16xi32>
      %mul3A_469 = arith.muli %mul3A_468, %get3A_394 : vector<16xi32>
      %add3A_470 = arith.addi %add3A_377, %mul3A_469 : vector<16xi32>
      %eq3A_471 = arith.constant 2 : i32
      %eq3A_472 = vector.broadcast %eq3A_471 : i32 to vector<16xi32>
      %eq3A_473 = arith.cmpi eq, %add3A_389, %eq3A_472 : vector<16xi32>
      %jit3A_474 = arith.constant 1 : i32
      %jit3A_475 = arith.constant 0 : i32
      %broadcast_in_dim3A_476 = vector.broadcast %jit3A_474 : i32 to vector<16xi32>
      %broadcast_in_dim3A_477 = vector.broadcast %jit3A_475 : i32 to vector<16xi32>
      %select_n3A_478 = arith.select %eq3A_473, %broadcast_in_dim3A_476, %broadcast_in_dim3A_477 : vector<16xi1>, vector<16xi32>
      %mul3A_479 = arith.muli %sub3A_414, %select_n3A_478 : vector<16xi32>
      %mul3A_480 = arith.muli %mul3A_479, %get3A_394 : vector<16xi32>
      %add3A_481 = arith.addi %add3A_388, %mul3A_480 : vector<16xi32>
      %add3A_482 = arith.addi %add3A_389, %sub3A_414 : vector<16xi32>
      %get3A_483 = arith.constant 5 : i32
      %get3A_484 = arith.index_cast %get3A_483 : i32 to index
      %get3A_485 = arith.index_cast %mul3A_9 : i32 to index
      %get3A_486 = tpu.vector_load %arg4[%get3A_484, %get3A_485] {strides = array<i32>} : memref<8x512xi32, #tpu.memory_space<vmem>>, vector<1x16xi32>,
      %get3A_487 = vector.shape_cast %get3A_486 : vector<1x16xi32> to vector<16xi32>
      %lt3A_488 = arith.constant 60 : i32
      %lt3A_489 = vector.broadcast %lt3A_488 : i32 to vector<16xi32>
      %lt3A_490 = arith.cmpi slt, %get3A_487, %lt3A_489 : vector<16xi32>
      %jit3A_491 = arith.constant 1 : i32
      %jit3A_492 = arith.constant 0 : i32
      %broadcast_in_dim3A_493 = vector.broadcast %jit3A_491 : i32 to vector<16xi32>
      %broadcast_in_dim3A_494 = vector.broadcast %jit3A_492 : i32 to vector<16xi32>
      %select_n3A_495 = arith.select %lt3A_490, %broadcast_in_dim3A_493, %broadcast_in_dim3A_494 : vector<16xi1>, vector<16xi32>
      %mul3A_496 = arith.muli %select_n3A, %select_n3A_495 : vector<16xi32>
      %sub3A_497 = arith.constant 1 : i32
      %sub3A_498 = vector.broadcast %sub3A_497 : i32 to vector<16xi32>
      %sub3A_499 = arith.subi %sub3A_498, %select_n3A : vector<16xi32>
      %sub3A_500 = arith.constant 1 : i32
      %sub3A_501 = vector.broadcast %sub3A_500 : i32 to vector<16xi32>
      %sub3A_502 = arith.subi %sub3A_501, %select_n3A_495 : vector<16xi32>
      %mul3A_503 = arith.muli %sub3A_499, %sub3A_502 : vector<16xi32>
      %add3A_504 = arith.addi %mul3A_496, %mul3A_503 : vector<16xi32>
      %sub3A_505 = arith.constant 1 : i32
      %sub3A_506 = vector.broadcast %sub3A_505 : i32 to vector<16xi32>
      %sub3A_507 = arith.subi %sub3A_506, %add3A_504 : vector<16xi32>
      %eq3A_508 = arith.constant 0 : i32
      %eq3A_509 = vector.broadcast %eq3A_508 : i32 to vector<16xi32>
      %eq3A_510 = arith.cmpi eq, %add3A_448, %eq3A_509 : vector<16xi32>
      %jit3A_511 = arith.constant 1 : i32
      %jit3A_512 = arith.constant 0 : i32
      %broadcast_in_dim3A_513 = vector.broadcast %jit3A_511 : i32 to vector<16xi32>
      %broadcast_in_dim3A_514 = vector.broadcast %jit3A_512 : i32 to vector<16xi32>
      %select_n3A_515 = arith.select %eq3A_510, %broadcast_in_dim3A_513, %broadcast_in_dim3A_514 : vector<16xi1>, vector<16xi32>
      %mul3A_516 = arith.muli %add3A_504, %select_n3A_515 : vector<16xi32>
      %mul3A_517 = arith.muli %mul3A_516, %get3A_487 : vector<16xi32>
      %add3A_518 = arith.addi %add3A_425, %mul3A_517 : vector<16xi32>
      %eq3A_519 = arith.constant 1 : i32
      %eq3A_520 = vector.broadcast %eq3A_519 : i32 to vector<16xi32>
      %eq3A_521 = arith.cmpi eq, %add3A_448, %eq3A_520 : vector<16xi32>
      %jit3A_522 = arith.constant 1 : i32
      %jit3A_523 = arith.constant 0 : i32
      %broadcast_in_dim3A_524 = vector.broadcast %jit3A_522 : i32 to vector<16xi32>
      %broadcast_in_dim3A_525 = vector.broadcast %jit3A_523 : i32 to vector<16xi32>
      %select_n3A_526 = arith.select %eq3A_521, %broadcast_in_dim3A_524, %broadcast_in_dim3A_525 : vector<16xi1>, vector<16xi32>
      %mul3A_527 = arith.muli %add3A_504, %select_n3A_526 : vector<16xi32>
      %mul3A_528 = arith.muli %mul3A_527, %get3A_487 : vector<16xi32>
      %add3A_529 = arith.addi %add3A_436, %mul3A_528 : vector<16xi32>
      %eq3A_530 = arith.constant 2 : i32
      %eq3A_531 = vector.broadcast %eq3A_530 : i32 to vector<16xi32>
      %eq3A_532 = arith.cmpi eq, %add3A_448, %eq3A_531 : vector<16xi32>
      %jit3A_533 = arith.constant 1 : i32
      %jit3A_534 = arith.constant 0 : i32
      %broadcast_in_dim3A_535 = vector.broadcast %jit3A_533 : i32 to vector<16xi32>
      %broadcast_in_dim3A_536 = vector.broadcast %jit3A_534 : i32 to vector<16xi32>
      %select_n3A_537 = arith.select %eq3A_532, %broadcast_in_dim3A_535, %broadcast_in_dim3A_536 : vector<16xi1>, vector<16xi32>
      %mul3A_538 = arith.muli %add3A_504, %select_n3A_537 : vector<16xi32>
      %mul3A_539 = arith.muli %mul3A_538, %get3A_487 : vector<16xi32>
      %add3A_540 = arith.addi %add3A_447, %mul3A_539 : vector<16xi32>
      %add3A_541 = arith.addi %add3A_448, %add3A_504 : vector<16xi32>
      %eq3A_542 = arith.constant 0 : i32
      %eq3A_543 = vector.broadcast %eq3A_542 : i32 to vector<16xi32>
      %eq3A_544 = arith.cmpi eq, %add3A_482, %eq3A_543 : vector<16xi32>
      %jit3A_545 = arith.constant 1 : i32
      %jit3A_546 = arith.constant 0 : i32
      %broadcast_in_dim3A_547 = vector.broadcast %jit3A_545 : i32 to vector<16xi32>
      %broadcast_in_dim3A_548 = vector.broadcast %jit3A_546 : i32 to vector<16xi32>
      %select_n3A_549 = arith.select %eq3A_544, %broadcast_in_dim3A_547, %broadcast_in_dim3A_548 : vector<16xi1>, vector<16xi32>
      %mul3A_550 = arith.muli %sub3A_507, %select_n3A_549 : vector<16xi32>
      %mul3A_551 = arith.muli %mul3A_550, %get3A_487 : vector<16xi32>
      %add3A_552 = arith.addi %add3A_459, %mul3A_551 : vector<16xi32>
      %eq3A_553 = arith.constant 1 : i32
      %eq3A_554 = vector.broadcast %eq3A_553 : i32 to vector<16xi32>
      %eq3A_555 = arith.cmpi eq, %add3A_482, %eq3A_554 : vector<16xi32>
      %jit3A_556 = arith.constant 1 : i32
      %jit3A_557 = arith.constant 0 : i32
      %broadcast_in_dim3A_558 = vector.broadcast %jit3A_556 : i32 to vector<16xi32>
      %broadcast_in_dim3A_559 = vector.broadcast %jit3A_557 : i32 to vector<16xi32>
      %select_n3A_560 = arith.select %eq3A_555, %broadcast_in_dim3A_558, %broadcast_in_dim3A_559 : vector<16xi1>, vector<16xi32>
      %mul3A_561 = arith.muli %sub3A_507, %select_n3A_560 : vector<16xi32>
      %mul3A_562 = arith.muli %mul3A_561, %get3A_487 : vector<16xi32>
      %add3A_563 = arith.addi %add3A_470, %mul3A_562 : vector<16xi32>
      %eq3A_564 = arith.constant 2 : i32
      %eq3A_565 = vector.broadcast %eq3A_564 : i32 to vector<16xi32>
      %eq3A_566 = arith.cmpi eq, %add3A_482, %eq3A_565 : vector<16xi32>
      %jit3A_567 = arith.constant 1 : i32
      %jit3A_568 = arith.constant 0 : i32
      %broadcast_in_dim3A_569 = vector.broadcast %jit3A_567 : i32 to vector<16xi32>
      %broadcast_in_dim3A_570 = vector.broadcast %jit3A_568 : i32 to vector<16xi32>
      %select_n3A_571 = arith.select %eq3A_566, %broadcast_in_dim3A_569, %broadcast_in_dim3A_570 : vector<16xi1>, vector<16xi32>
      %mul3A_572 = arith.muli %sub3A_507, %select_n3A_571 : vector<16xi32>
      %mul3A_573 = arith.muli %mul3A_572, %get3A_487 : vector<16xi32>
      %add3A_574 = arith.addi %add3A_481, %mul3A_573 : vector<16xi32>
      %add3A_575 = arith.addi %add3A_482, %sub3A_507 : vector<16xi32>
      %convert_element_type3A = arith.sitofp %add3A_518 : vector<16xi32> to vector<16xf32>
      %swap3A = arith.constant 0 : i32
      %swap3A_576 = arith.index_cast %swap3A : i32 to index
      %swap3A_577 = arith.index_cast %mul3A_9 : i32 to index
      %swap3A_578 = tpu.vector_load %arg5[%swap3A_576, %swap3A_577] {strides = array<i32>} : memref<8x512xf32, #tpu.memory_space<vmem>>, vector<1x16xf32>,
      %swap3A_579 = vector.shape_cast %swap3A_578 : vector<1x16xf32> to vector<16xf32>
      %swap3A_580 = vector.shape_cast %convert_element_type3A : vector<16xf32> to vector<1x16xf32>
      tpu.vector_store %arg5[%swap3A_576, %swap3A_577], %swap3A_580 {strides = array<i32>} : memref<8x512xf32, #tpu.memory_space<vmem>>, vector<1x16xf32>,
      %convert_element_type3A_581 = arith.sitofp %add3A_529 : vector<16xi32> to vector<16xf32>
      %swap3A_582 = arith.constant 1 : i32
      %swap3A_583 = arith.index_cast %swap3A_582 : i32 to index
      %swap3A_584 = arith.index_cast %mul3A_9 : i32 to index
      %swap3A_585 = tpu.vector_load %arg5[%swap3A_583, %swap3A_584] {strides = array<i32>} : memref<8x512xf32, #tpu.memory_space<vmem>>, vector<1x16xf32>,
      %swap3A_586 = vector.shape_cast %swap3A_585 : vector<1x16xf32> to vector<16xf32>
      %swap3A_587 = vector.shape_cast %convert_element_type3A_581 : vector<16xf32> to vector<1x16xf32>
      tpu.vector_store %arg5[%swap3A_583, %swap3A_584], %swap3A_587 {strides = array<i32>} : memref<8x512xf32, #tpu.memory_space<vmem>>, vector<1x16xf32>,
      %convert_element_type3A_588 = arith.sitofp %add3A_540 : vector<16xi32> to vector<16xf32>
      %swap3A_589 = arith.constant 2 : i32
      %swap3A_590 = arith.index_cast %swap3A_589 : i32 to index
      %swap3A_591 = arith.index_cast %mul3A_9 : i32 to index
      %swap3A_592 = tpu.vector_load %arg5[%swap3A_590, %swap3A_591] {strides = array<i32>} : memref<8x512xf32, #tpu.memory_space<vmem>>, vector<1x16xf32>,
      %swap3A_593 = vector.shape_cast %swap3A_592 : vector<1x16xf32> to vector<16xf32>
      %swap3A_594 = vector.shape_cast %convert_element_type3A_588 : vector<16xf32> to vector<1x16xf32>
      tpu.vector_store %arg5[%swap3A_590, %swap3A_591], %swap3A_594 {strides = array<i32>} : memref<8x512xf32, #tpu.memory_space<vmem>>, vector<1x16xf32>,
      %convert_element_type3A_595 = arith.sitofp %add3A_552 : vector<16xi32> to vector<16xf32>
      %swap3A_596 = arith.constant 3 : i32
      %swap3A_597 = arith.index_cast %swap3A_596 : i32 to index
      %swap3A_598 = arith.index_cast %mul3A_9 : i32 to index
      %swap3A_599 = tpu.vector_load %arg5[%swap3A_597, %swap3A_598] {strides = array<i32>} : memref<8x512xf32, #tpu.memory_space<vmem>>, vector<1x16xf32>,
      %swap3A_600 = vector.shape_cast %swap3A_599 : vector<1x16xf32> to vector<16xf32>
      %swap3A_601 = vector.shape_cast %convert_element_type3A_595 : vector<16xf32> to vector<1x16xf32>
      tpu.vector_store %arg5[%swap3A_597, %swap3A_598], %swap3A_601 {strides = array<i32>} : memref<8x512xf32, #tpu.memory_space<vmem>>, vector<1x16xf32>,
      %convert_element_type3A_602 = arith.sitofp %add3A_563 : vector<16xi32> to vector<16xf32>
      %swap3A_603 = arith.constant 4 : i32
      %swap3A_604 = arith.index_cast %swap3A_603 : i32 to index
      %swap3A_605 = arith.index_cast %mul3A_9 : i32 to index
      %swap3A_606 = tpu.vector_load %arg5[%swap3A_604, %swap3A_605] {strides = array<i32>} : memref<8x512xf32, #tpu.memory_space<vmem>>, vector<1x16xf32>,
      %swap3A_607 = vector.shape_cast %swap3A_606 : vector<1x16xf32> to vector<16xf32>
      %swap3A_608 = vector.shape_cast %convert_element_type3A_602 : vector<16xf32> to vector<1x16xf32>
      tpu.vector_store %arg5[%swap3A_604, %swap3A_605], %swap3A_608 {strides = array<i32>} : memref<8x512xf32, #tpu.memory_space<vmem>>, vector<1x16xf32>,
      %convert_element_type3A_609 = arith.sitofp %add3A_574 : vector<16xi32> to vector<16xf32>
      %swap3A_610 = arith.constant 5 : i32
      %swap3A_611 = arith.index_cast %swap3A_610 : i32 to index
      %swap3A_612 = arith.index_cast %mul3A_9 : i32 to index
      %swap3A_613 = tpu.vector_load %arg5[%swap3A_611, %swap3A_612] {strides = array<i32>} : memref<8x512xf32, #tpu.memory_space<vmem>>, vector<1x16xf32>,
      %swap3A_614 = vector.shape_cast %swap3A_613 : vector<1x16xf32> to vector<16xf32>
      %swap3A_615 = vector.shape_cast %convert_element_type3A_609 : vector<16xf32> to vector<1x16xf32>
      tpu.vector_store %arg5[%swap3A_611, %swap3A_612], %swap3A_615 {strides = array<i32>} : memref<8x512xf32, #tpu.memory_space<vmem>>, vector<1x16xf32>,
    }
    %scan3A_6 = arith.constant 32 : i32
    "tpu.region"() ({
      %run_scoped3A = tpu.sem_alloc : memref<!tpu.dma_semaphore, #tpu.memory_space<semaphore_mem>>
      %dma_start3A = arith.constant 0 : i32
      %dma_start3A_7 = tpu.memref_slice %arg3[%dma_start3A, %mul3A_2] : memref<8x16384xf32, #tpu.memory_space<hbm>> -> memref<8x512xf32, #tpu.memory_space<hbm>>
      %dma_start3A_8 = arith.constant 0 : i32
      %dma_start3A_9 = tpu.memref_slice %arg3[%dma_start3A_8, %mul3A_2] : memref<8x16384xf32, #tpu.memory_space<hbm>> -> memref<8x512xf32, #tpu.memory_space<hbm>>
      tpu.enqueue_dma source(%arg5 : memref<8x512xf32, #tpu.memory_space<vmem>>) target(%dma_start3A_9 : memref<8x512xf32, #tpu.memory_space<hbm>>) target_semaphore(%run_scoped3A : memref<!tpu.dma_semaphore, #tpu.memory_space<semaphore_mem>>)
      %dma_wait3A = arith.constant 0 : i32
      %dma_wait3A_10 = tpu.memref_slice %arg3[%dma_wait3A, %mul3A_2] : memref<8x16384xf32, #tpu.memory_space<hbm>> -> memref<8x512xf32, #tpu.memory_space<hbm>>
      %dma_wait3A_11 = arith.constant 0 : i32
      %dma_wait3A_12 = tpu.memref_slice %arg3[%dma_wait3A_11, %mul3A_2] : memref<8x16384xf32, #tpu.memory_space<hbm>> -> memref<8x512xf32, #tpu.memory_space<hbm>>
      tpu.wait_dma2 semaphore(%run_scoped3A : memref<!tpu.dma_semaphore, #tpu.memory_space<semaphore_mem>>) src(%arg5 : memref<8x512xf32, #tpu.memory_space<vmem>>) dst(%dma_wait3A_12 : memref<8x512xf32, #tpu.memory_space<hbm>>)
      tpu.yield
    }) : () -> ()
    return
  }
}

</mosaic_0001>

<sc_bundles>
// kernel: _run_sc.3.cloned.1.call-start
scs
__scs_entry_jumppad:
0x0: {  	(pc) =	sbr.rel $0x88, $3  }
0x1: {  	(tag) =	ssettag $0x0;
	lr =	simm.s32 $0x1  }
0x2: {  	[smem:$0x3FA0] =	sst lr;
	_ =	strace $0xD0000000  }
0x3: {  	_ = 	snop  }
0x4: {  	_ = 	snop  }
0x5: {  	_ = 	snop  }
0x6: {  	_ = 	snop  }
0x7: {  	_ = 	snop  }
__scs_overlays_trampoline_lowered:
0x8: {  	[smem:$0x3FAF] =	sst s0  }
0x9: {  	[smem:$0x3FB0] =	sst s1  }
0xa: {  	[smem:$0x3FB1] =	sst s2  }
0xb: {  	[smem:$0x3FB2] =	sst s3  }
0xc: {  	[smem:$0x3FB3] =	sst s4  }
0xd: {  	[smem:$0x3FB4] =	sst s5  }
0xe: {  	[smem:$0x3FB5] =	sst s6  }
0xf: {  	[smem:$0x3FB6] =	sst s7  }
0x10: {  	[smem:$0x3FB7] =	sst s8  }
0x11: {  	[smem:$0x3FB8] =	sst s9;
	s0 =	simm.s32 @!p0 $0x0  }
0x12: {  	s1 =	sld [smem:$0x3F9E];
	s0 =	simm.s32 @p0 $0x1  }
0x13: {  	[smem:$0x3FB9] =	sst s0;
	s0 =	simm.s32 @!p1 $0x0  }
0x14: {  	s2 =	sld [smem:$0x3F9D];
	s0 =	simm.s32 @p1 $0x1  }
0x15: {  	[smem:$0x3FBA] =	sst s0;
	s0 =	simm.s32 @!p2 $0x0  }
0x16: {  	s3 =	sld [smem:$0x3FDB];
	s0 =	simm.s32 @p2 $0x1  }
0x17: {  	s4 =	simm.s32 $0x1BF5;
	[smem:$0x3FBC] =	sst s0  }
0x18: {  	s0 =	sld [smem:$0x3F9F];
	_ =	swait.ge [sflag:s4], $0x0  }
0x19: {  	s7 =	sld [smem:$0x3FA0]  }
0x1a: {  	s8 =	sadd.s32 $0xFFFFE003, lr  }
0x1b: {  	s9 =	sadd.s32 $0xFFFFFEF7, lr;
	s5 =	simm.s32 $0xFFFFFFFF;
	p2 =	slt.u32 s8, $0xFFFFF086  }
0x1c: {  	p1 =	slt.u32 s9, $0xF7A;
	s5 =	simm.s32 @!p2 $0x0  }
0x1d: {  	s5 =	simm.s32 @p1 $0x1;
	p0 =	seq.s32 s7, s2  }
0x1e: {  	s7 =	smul.u32 @!p0 $0xF7A, s2;
	p2 =	seq.s32 @!p0 s5, $0x0  }
0x1f: {  	s9 =	smul.u32 $0xF7A, s1;
	s8 =	simm.s32 @!p0 $0x1BF5;
	p2 =	por !p2, p0  }
0x20: {  	[sflag:s8] =	ssyncset.s32 @!p0 $0xFFFFF086;
	s6 =	sadd.s32 @!p0 s3, s7;
	s7 =	simm.s32 @!p0 $0x108  }
0x21: {  	s3 =	sadd.s32 s3, s9;
	s6 =	sadd.s32 @!p0 $0x88, s6;
	s7 =	simm.s32 @p2 $0x1082  }
0x22: {  	[simem:s7], [sflag:s8] =	dma.local @!p0 [hbm:s6], $0xF7A  }
0x23: {  	s9 =	sor.u32 $0xD0000000, s2;
	s6 =	simm.s32 $0x108;
	_ =	swait.ge @!p0 [sflag:s8], $0x0  }
0x24: {  	s3 =	sadd.s32 $0x88, s3;
	s6 =	simm.s32 @!p1 $0x1082;
	[sflag:s4] =	ssyncset.s32 $0xFFFFF086  }
0x25: {  	[simem:s6], [sflag:s4] =	dma.local [hbm:s3], $0xF7A  }
0x26: {  	[smem:$0x3FA0] =	sst s1;
	(tag) =	ssettag s2;
	_ =	strace s9  }
0x27: {  	s1 =	sld [smem:$0x3FB0]  }
0x28: {  	s2 =	sld [smem:$0x3FB1]  }
0x29: {  	s4 =	sld [smem:$0x3FB3]  }
0x2a: {  	p0 =	seq.s32 s5, $0x0;
	s5 =	sld [smem:$0x3FB4]  }
0x2b: {  	s6 =	sld [smem:$0x3FB5]  }
0x2c: {  	s7 =	sld [smem:$0x3FB6]  }
0x2d: {  	s3 =	simm.s32 $0x108;
	s8 =	sld [smem:$0x3FB7]  }
0x2e: {  	s3 =	simm.s32 @!p0 $0x1082;
	s9 =	sld [smem:$0x3FB8]  }
0x2f: {  	lr =	sadd.s32 s0, s3;
	s0 =	sld [smem:$0x3FAF]  }
0x30: {  	s3 =	sld [smem:$0x3FB2]  }
0x31: {  	[smem:$0x3FBB] =	sst s10  }
0x32: {  	s10 =	sld [smem:$0x3FB9];
	_ =	sdelay $0x3  }
0x33: {  	p0 =	seq.s32 s10, $0x1;
	s10 =	sld [smem:$0x3FBB];
	_ =	sdelay $0x3  }
0x34: {  	[smem:$0x3FBB] =	sst s10  }
0x35: {  	s10 =	sld [smem:$0x3FBA];
	_ =	sdelay $0x3  }
0x36: {  	p1 =	seq.s32 s10, $0x1;
	s10 =	sld [smem:$0x3FBB];
	_ =	sdelay $0x3  }
0x37: {  	[smem:$0x3FBB] =	sst s10  }
0x38: {  	s10 =	sld [smem:$0x3FBC]  }
0x39: {  	_ = 	snop;
	(pc) =	sbr.ind lr, $3  }
0x3a: {  	_ = 	snop  }
0x3b: {  	_ = 	snop  }
0x3c: {  	p2 =	seq.s32 s10, $0x1;
	s10 =	sld [smem:$0x3FBB]  }
0x3d: {  	_ =	shalt  }
0x3e: {  	_ =	shalt  }
0x3f: {  	_ =	shalt  }
0x40: {  	_ =	shalt  }
0x41: {  	_ =	shalt  }
0x42: {  	_ =	shalt  }
0x43: {  	_ =	shalt  }
0x44: {  	_ =	shalt  }
0x45: {  	_ =	shalt  }
0x46: {  	_ =	shalt  }
0x47: {  	_ =	shalt  }
0x48: {  	_ =	shalt  }
0x49: {  	_ =	shalt  }
0x4a: {  	_ =	shalt  }
0x4b: {  	_ =	shalt  }
0x4c: {  	_ =	shalt  }
0x4d: {  	_ =	shalt  }
0x4e: {  	_ =	shalt  }
0x4f: {  	_ =	shalt  }
0x50: {  	_ =	shalt  }
0x51: {  	_ =	shalt  }
0x52: {  	_ =	shalt  }
0x53: {  	_ =	shalt  }
0x54: {  	_ =	shalt  }
0x55: {  	_ =	shalt  }
0x56: {  	_ =	shalt  }
0x57: {  	_ =	shalt  }
0x58: {  	_ =	shalt  }
0x59: {  	_ =	shalt  }
0x5a: {  	_ =	shalt  }
0x5b: {  	_ =	shalt  }
0x5c: {  	_ =	shalt  }
0x5d: {  	_ =	shalt  }
0x5e: {  	_ =	shalt  }
0x5f: {  	_ =	shalt  }
0x60: {  	_ =	shalt  }
0x61: {  	_ =	shalt  }
0x62: {  	_ =	shalt  }
0x63: {  	_ =	shalt  }
0x64: {  	_ =	shalt  }
0x65: {  	_ =	shalt  }
0x66: {  	_ =	shalt  }
0x67: {  	_ =	shalt  }
0x68: {  	_ =	shalt  }
0x69: {  	_ =	shalt  }
0x6a: {  	_ =	shalt  }
0x6b: {  	_ =	shalt  }
0x6c: {  	_ =	shalt  }
0x6d: {  	_ =	shalt  }
0x6e: {  	_ =	shalt  }
0x6f: {  	_ =	shalt  }
0x70: {  	_ =	shalt  }
0x71: {  	_ =	shalt  }
0x72: {  	_ =	shalt  }
0x73: {  	_ =	shalt  }
0x74: {  	_ =	shalt  }
0x75: {  	_ =	shalt  }
0x76: {  	_ =	shalt  }
0x77: {  	_ =	shalt  }
0x78: {  	_ =	shalt  }
0x79: {  	_ =	shalt  }
0x7a: {  	_ =	shalt  }
0x7b: {  	_ =	shalt  }
0x7c: {  	_ =	shalt  }
0x7d: {  	_ =	shalt  }
0x7e: {  	_ =	shalt  }
0x7f: {  	_ =	shalt  }
0x80: {  	_ =	shalt  }
0x81: {  	_ =	shalt  }
0x82: {  	_ =	shalt  }
0x83: {  	_ =	shalt  }
0x84: {  	_ =	shalt  }
0x85: {  	_ =	shalt  }
0x86: {  	_ =	shalt  }
0x87: {  	_ =	shalt  }
.Lfunc_end0:
.L_simem_size_0:
called_computation_lowered:
.L_overlay_start_0:
0x88: {  	s2 =	sld [smem:$0x3FD9]  }
0x89: {  	s3 =	sld [smem:$0x3FFE];
	_ =	sdelay $0x1  }
0x8a: {  	s1 =	srdreg.scid  }
0x8b: {  	s0 =	sand.u32 $0x1, s1  }
0x8c: {  	s18 =	sshll.u32 s0, $0xA;
	s2 =	sadd.s32 s3, s2  }
0x8d: {  	s2 =	sadd.s32 s2, s18  }
0x8e: {  	[smem:$0x3FC7] =	sst s2  }
0x8f: {  	_ = 	snop  }
0x90: {  	s2 =	sld [smem:$0x3FC9]  }
0x91: {  	s19 =	sld [smem:$0x3FD0];
	(tm) =	ssettm $0x1  }
0x92: {  	s4 =	sld [smem:$0x3FFB];
	_ =	sdelay $0x3  }
0x93: {  	_ =	strace s4  }
0x94: {  	s4 =	sld [smem:$0x3FFC];
	_ =	sdelay $0x3  }
0x95: {  	_ =	strace s4  }
0x96: {  	s4 =	sld [smem:$0x3FFD];
	_ =	sdelay $0x3  }
0x97: {  	_ =	strace s4  }
0x98: {  	_ =	strace $0x8FFFFFFF  }
0x99: {  	s20 =	sld [smem:$0x3FDB];
	_ =	sdelay $0x1  }
0x9a: {  	s5 =	simm.s32 $_scs_section_size  }
0x9b: {  	s6 =	simm.s32 $_size__tile_overlayer_lowered;
	s7 =	simm.s32 $_tile_overlayer_lowered  }
0x9c: {  	s23 =	simm.s32 $0x1BFF;
	s22 =	sshll.u32 s7, $0x1;
	s4 =	sadd.s32 s5, s20  }
0x9d: {  	s8 =	simm.s32 $0x0;
	s21 =	sshll.u32 s6, $0x1;
	s6 =	sadd.s32 s22, s4  }
0x9e: {  	[timem:s8], [sflag:s23] =	dma.local [hbm:s6], s21  }
0x9f: {  	_ =	swait.ge [sflag:s23], s21  }
0xa0: {  	s5 =	ssub.s32 $0x0, s21;
	[sflag:s23] =	ssyncset.done $0x0  }
0xa1: {  	[sflag:s23] =	ssyncadd.s32 s5;
	_ =	sdelay $0x1  }
0xa2: {  	s24 =	simm.s32 $0x1B8B  }
0xa3: {  	_ =	swait.ge [sflag:s24], $0x1  }
0xa4: {  	[sflag:s24] =	ssyncset.done $0x0  }
0xa5: {  	s25 =	simm.s32 $0x1B8E;
	[sflag:s24] =	ssyncadd.s32 $0xFFFFFFFF  }
0xa6: {  	s26 =	simm.s32 $execute0_lowered;
	[smem:$0x3FD2] =	sst s25  }
0xa7: {  	s5 =	sshll.u32 s26, $0x1;
	_ =	strace $0x80000046;
	[dreg:$0x1] =	wrdreg $0xFFFFFFFF  }
0xa8: {  	s28 =	simm.s32 $_size_execute0_lowered;
	s4 =	sadd.s32 s4, s5;
	[dreg:$0x0] =	wrdreg $0x0  }
0xa9: {  	s5 =	sshll.u32 s28, $0x1;
	[dreg:$0x2] =	wrdreg s4  }
0xaa: {  	[dreg:$0x3] =	wrdreg s5  }
0xab: {  	[dreg:$0x4] =	wrdreg $0xC0  }
0xac: {  	_ =	task [dreg:s8], $0x5FFFF  }
0xad: {  	[dreg:$0x1] =	wrdreg $0xFFFFFFFF  }
0xae: {  	[dreg:$0x0] =	wrdreg $0x60  }
0xaf: {  	[dreg:$0x2] =	wrdreg s2  }
0xb0: {  	[dreg:$0x3] =	wrdreg s19  }
0xb1: {  	[dreg:$0x4] =	wrdreg $0x9  }
0xb2: {  	_ =	task.clear_ibuf [dreg:s8], $0x5FFFF;
	_ =	strace $0x90000046  }
0xb3: {  	s29 =	simm.s32 $0x9;
	_ =	strace $0x80000048  }
0xb4: {  	_ =	swait.ge [sflag:s29], $0x1  }
0xb5: {  	[sflag:s29] =	ssyncadd.s32 $0xFFFFFFFF  }
0xb6: {  	_ =	strace $0x90000048  }
0xb7: {  	_ =	sfence  }
0xb8: {  	s30 =	sld [smem:$0x0];
	_ =	sdelay $0x2  }
0xb9: {  	s31 =	sshll.u32 s1, $0xD;
	s1 =	sshrl.u32 s1, $0x2  }
0xba: {  	s3 =	sand.u32 $0x4000, s31;
	s1 =	sadd.s32 s1, s30  }
0xbb: {  	s0 =	sor.u32 s3, s0;
	s1 =	sshll.u32 s1, $0x11  }
0xbc: {  	s0 =	sor.u32 s1, s0  }
0xbd: {  	s0 =	sadd.s32 $0x8F2B, s0  }
0xbe: {  	[sflag:s0] =	ssyncadd.remote.s32 $0x1  }
0xbf: {  	_ =	sfence.sel $0xFFFF  }
0xc0: {  	[dreg:$0x0] =	wrdreg $0xFFFFFFFF;
	(pc) =	sbr.abs _section_cstart, $3  }
0xc1: {  	[dreg:$0x1] =	wrdreg $0xFFFFFFFF  }
0xc2: {  	_ =	task.clear_ibuf [dreg:s8], $0x2FFFF;
	_ =	strace $0x9FFFFFFF  }
0xc3: {  	(tm) =	ssettm $0x7FFFFFFF  }
tec
execute0_lowered:
.L_overlay_start_1:
0x0: {  	(tag) =	ssettag $0x1  }
0x1: {  	s3 =	rddreg [dreg:$0x0]  }
0x2: {  	s4 =	rddreg [dreg:$0x1];
	s1 =	srdreg.scid  }
0x3: {  	s0 =	rddreg [dreg:$0x2];
	s2 =	simm.s32 $0x0;
	s5 =	sand.u32 $0x1, s1  }
0x4: {  	[smem:$0x7FF] =	sst s2;
	s1 =	stileid.u32;
	s6 =	ssub.s32 $0x2, s5  }
0x5: {  	s8 =	sshll.u32 s1, $0xA;
	s5 =	sshll.u32 s5, $0x9;
	_ =	strace $0x80000047  }
0x6: {  	s7 =	sshrl.u32 s6, $0x1;
	s5 =	sor.u32 s5, s8;
	s8 =	simm.s32 $0x0  }
0x7: {  	s6 =	ssub.s32 s6, s7;
	s3 =	sadd.s32 s3, s5;
	s4 =	sadd.s32 s4, s5  }
0x8: {  	v0 =	vimm.s32 $0x0;
	s7 =	simm.s32 $0x1000;
	s5 =	smax.u32 s6, $0x1;
	s6 =	simm.s32 $0x1  }
.LBB2_1:
0x9: {  	[tilespmem:s2], [sflag:$0x1] =	stream.linear.gather [hbm4b:s3+s2], $0x1000, $0x38;
	[tilespmem:$0x2000] =	vst v63  }
0xa: {  	_ =	swait.ge [sflag:s6], $0x1000  }
0xb: {  	s9 =	sand.u32 $0x70, s2;
	s10 =	sand.u32 $0xC00, s2;
	[sflag:s6] =	ssyncset.done $0x0  }
0xc: {  	s9 =	sor.u32 s9, s10;
	[sflag:s6] =	ssyncadd.s32 $0xFFFFF000  }
0xd: {  	v4 =	vld [tilespmem:s9+$0x100]  }
0xe: {  	s10 =	sor.u32 s10, s2;
	v5 =	vld [tilespmem:s9+$0x80]  }
0xf: {  	s10 =	sor.u32 $0x180, s10;
	v9 =	vld [tilespmem:s9+$0x0]  }
0x10: {  	v2 =	vld [tilespmem:s10+$0x0]  }
0x11: {  	v1 =	vld [tilespmem:s9+$0x300];
	_ =	sdelay $0x1  }
0x12: {  	vm2 =	vlt.s32 v5, $0x3C  }
0x13: {  	vm4 =	vlt.s32 v4, $0x3C;
	vm3 =	vge.s32 v9, $0x3C;
	vm5 =	vlt.s32 v9, $0x3C  }
0x14: {  	vm6 =	vge.s32 v4, $0x3C;
	vm7 =	vge.s32 v2, $0x3C;
	vm8 =	vlt.s32 v2, $0x3C  }
0x15: {  	vm1 =	vne.s32 v1, $0x0;
	vm0 =	veq.s32 v1, $0x0;
	vm9 =	vge.s32 v5, $0x3C  }
0x16: {  	vm5 =	vmand vm0, vm5;
	vm10 =	vmand vm1, vm3;
	vm7 =	vmand vm1, vm7  }
0x17: {  	vm9 =	vmand vm1, vm9;
	vm2 =	vmand vm0, vm2;
	vm4 =	vmand vm0, vm4  }
0x18: {  	v1 =	vld [tilespmem:s9+$0x200];
	v3 =	vsel vm5, $0x1, v0;
	vm3 =	vmxor vm5, vm10;
	v6 =	vsel vm9, $0x1, v0  }
0x19: {  	v7 =	vsel vm7, $0x1, v0;
	v8 =	vsel vm10, $0x1, v0;
	vm7 =	vmand vm0, vm8  }
0x1a: {  	v10 =	vsel vm4, $0x1, v0;
	vm5 =	vmand vm1, vm6;
	v11 =	vadd.s32 v8, v3  }
0x1b: {  	v3 =	vsel vm2, $0x1, v0;
	v18 =	vsel vm7, $0x1, v0;
	v17 =	vsub.s32 $0x1, v11  }
0x1c: {  	vm2 =	veq.s32 v11, $0x0;
	v8 =	vmul.u32 v9, v11;
	v12 =	vadd.s32 v6, v3;
	v3 =	vld [tilespmem:s9+$0x280]  }
0x1d: {  	v6 =	vsel vm5, $0x1, v0;
	v7 =	vadd.s32 v7, v18;
	vm4 =	vge.s32 v1, $0x3C  }
0x1e: {  	v15 =	vsub.s32 $0x1, v12;
	v6 =	vadd.s32 v6, v10;
	vm5 =	vmand vm1, vm4  }
0x1f: {  	v13 =	vadd.s32 v17, v15;
	vm4 =	vlt.s32 v1, $0x3C;
	v14 =	vsub.s32 $0x1, v6  }
0x20: {  	vm4 =	vmand vm0, vm4;
	v10 =	vsel vm5, $0x1, v0;
	vm6 =	veq.s32 v13, $0x0  }
0x21: {  	s11 =	simm.s32 $0x10;
	s12 =	simm.s32 $0x0;
	vm5 =	veq.s32 v13, $0x2;
	v16 =	vnsel vm6, $0x0, v14;
	vm6 =	vge.s32 v3, $0x3C  }
.LBB2_2:
0x22: {  	p0 =	sne.s32 s11, $0x1F0  }
0x23: {  	v9 =	vmul.u32 v9, v17;
	v17 =	vnsel vm3, $0x0, v15;
	vm1 =	vmand vm1, vm6;
	s12 =	sadd.s32 $0x80, s12;
	s13 =	smov.u32 s11;
	s11 =	sadd.s32 $0x10, s11  }
0x24: {  	v18 =	vnsel vm3, $0x0, v12;
	vm3 =	vlt.s32 v3, $0x3C;
	v17 =	vmul.u32 v5, v17  }
0x25: {  	v19 =	vnsel vm5, $0x0, v14;
	v18 =	vmul.u32 v5, v18;
	vm0 =	vmand vm0, vm3  }
0x26: {  	vm3 =	veq.s32 v13, $0x1;
	v19 =	vmul.u32 v4, v19;
	vm0 =	vmor vm0, vm1  }
0x27: {  	v15 =	vnsel vm2, $0x0, v15;
	v20 =	vnsel vm3, $0x0, v14;
	v21 =	vsel vm0, $0x1, v0  }
0x28: {  	v11 =	vadd.s32 v11, v12;
	v15 =	vmul.u32 v5, v15;
	v20 =	vmul.u32 v4, v20  }
0x29: {  	v12 =	vnsel vm2, $0x0, v12;
	v16 =	vmul.u32 v4, v16;
	v9 =	vadd.s32 v9, v17  }
0x2a: {  	v5 =	vmul.u32 v5, v12;
	v12 =	vadd.s32 v14, v13;
	v13 =	vsel vm4, $0x1, v0  }
0x2b: {  	v14 =	vadd.s32 v6, v11;
	v17 =	vsub.s32 $0x1, v7;
	v22 =	vxor.u32 $0x1, v21  }
0x2c: {  	vm1 =	veq.s32 v11, $0x0;
	vm2 =	veq.s32 v12, $0x0;
	v23 =	vadd.s32 v17, v12  }
0x2d: {  	vm3 =	veq.s32 v11, $0x2;
	vm4 =	veq.s32 v12, $0x1;
	vm0 =	veq.s32 v23, $0x0  }
0x2e: {  	vm5 =	veq.s32 v12, $0x2;
	v10 =	vadd.s32 v10, v13;
	v15 =	vadd.s32 v15, v20  }
0x2f: {  	v12 =	vnsel vm3, $0x0, v6;
	v13 =	vnsel vm2, $0x0, v17;
	v20 =	vnsel vm5, $0x0, v17  }
0x30: {  	v24 =	vnsel vm1, $0x0, v6;
	v13 =	vmul.u32 v2, v13;
	vm1 =	veq.s32 v23, $0x2  }
0x31: {  	v9 =	vadd.s32 v16, v9;
	v16 =	vnsel vm4, $0x0, v17;
	v17 =	vmul.u32 v2, v20  }
0x32: {  	v5 =	vadd.s32 v8, v5;
	vm2 =	veq.s32 v14, $0x1;
	v8 =	vadd.s32 v13, v9  }
0x33: {  	v9 =	vmul.u32 v4, v24;
	v13 =	vadd.s32 v19, v17;
	v17 =	vsub.s32 $0x1, v10  }
0x34: {  	vm3 =	veq.s32 v14, $0x2;
	v19 =	vnsel vm2, $0x0, v7;
	vm2 =	veq.s32 v23, $0x1  }
0x35: {  	v12 =	vmul.u32 v4, v12;
	v20 =	vnsel vm3, $0x0, v7;
	v19 =	vmul.u32 v2, v19  }
0x36: {  	v5 =	vadd.s32 v9, v5;
	v9 =	vmul.u32 v2, v20;
	v20 =	vadd.s32 v17, v23  }
0x37: {  	vm4 =	veq.s32 v14, $0x0;
	vm3 =	veq.s32 v11, $0x1;
	v11 =	vadd.s32 v7, v14  }
0x38: {  	v14 =	vmul.u32 v2, v16;
	v6 =	vnsel vm3, $0x0, v6;
	vm3 =	veq.s32 v11, $0x0  }
0x39: {  	v4 =	vmul.u32 v4, v6;
	v6 =	vnsel vm3, $0x0, v10;
	vm3 =	veq.s32 v20, $0x0  }
0x3a: {  	vm5 =	veq.s32 v11, $0x1;
	v6 =	vmul.u32 v1, v6;
	vm6 =	veq.s32 v20, $0x1  }
0x3b: {  	v7 =	vnsel vm4, $0x0, v7;
	v16 =	vnsel vm5, $0x0, v10;
	v23 =	vnsel vm6, $0x0, v22  }
0x3c: {  	v14 =	vadd.s32 v14, v15;
	vm4 =	veq.s32 v11, $0x2;
	v15 =	vmul.u32 v3, v23  }
0x3d: {  	v24 =	vnsel vm2, $0x0, v17;
	v25 =	vnsel vm3, $0x0, v22;
	v23 =	vnsel vm4, $0x0, v10  }
0x3e: {  	v10 =	vadd.s32 v10, v11;
	v11 =	vmul.u32 v1, v24;
	v23 =	vmul.u32 v1, v23  }
0x3f: {  	v4 =	vadd.s32 v18, v4;
	v18 =	vmul.u32 v3, v25;
	vm2 =	veq.s32 v10, $0x2  }
0x40: {  	v2 =	vmul.u32 v2, v7;
	v7 =	vmul.u32 v1, v16;
	v11 =	vadd.s32 v11, v14  }
0x41: {  	v4 =	vadd.s32 v19, v4;
	v9 =	vadd.s32 v12, v9;
	vm3 =	veq.s32 v10, $0x0  }
0x42: {  	v2 =	vadd.s32 v2, v5;
	v4 =	vadd.s32 v7, v4;
	v5 =	vadd.s32 v23, v9  }
0x43: {  	v2 =	vadd.s32 v6, v2;
	vm4 =	veq.s32 v10, $0x1;
	v6 =	vadd.s32 v15, v11  }
0x44: {  	v7 =	vnsel vm1, $0x0, v17;
	vm1 =	veq.s32 v20, $0x2;
	v9 =	vnsel vm3, $0x0, v21  }
0x45: {  	v10 =	vnsel vm2, $0x0, v21;
	v11 =	vnsel vm1, $0x0, v22;
	v9 =	vmul.u32 v3, v9  }
0x46: {  	v7 =	vmul.u32 v1, v7;
	v12 =	vnsel vm4, $0x0, v21;
	v11 =	vmul.u32 v3, v11  }
0x47: {  	v14 =	vnsel vm0, $0x0, v17;
	v12 =	vmul.u32 v3, v12  }
0x48: {  	v7 =	vadd.s32 v7, v13;
	v3 =	vmul.u32 v3, v10;
	v2 =	vadd.s32 v9, v2  }
0x49: {  	v1 =	vmul.u32 v1, v14;
	v4 =	vadd.s32 v12, v4;
	v2 =	vcvt.s32.f32 v2  }
0x4a: {  	v3 =	vadd.s32 v3, v5;
	v5 =	vadd.s32 v11, v7  }
0x4b: {  	v1 =	vadd.s32 v1, v8;
	[tilespmem:s9+$0x1000] =	vst v2;
	v2 =	vcvt.s32.f32 v3  }
0x4c: {  	v1 =	vadd.s32 v18, v1;
	v3 =	vcvt.s32.f32 v4  }
0x4d: {  	v1 =	vcvt.s32.f32 v1;
	[tilespmem:s9+$0x1100] =	vst v2  }
0x4e: {  	s14 =	sand.u32 $0x70, s13;
	s15 =	sand.u32 $0xC00, s12;
	v2 =	vcvt.s32.f32 v6;
	[tilespmem:s9+$0x1080] =	vst v3  }
0x4f: {  	s14 =	sor.u32 s14, s15;
	s13 =	sor.u32 s15, s13;
	[tilespmem:s10+$0x1000] =	vst v1;
	v1 =	vcvt.s32.f32 v5  }
0x50: {  	v4 =	vld [tilespmem:s14+$0x100];
	[tilespmem:s9+$0x1200] =	vst v2  }
0x51: {  	v5 =	vld [tilespmem:s14+$0x80];
	[tilespmem:s9+$0x1280] =	vst v1;
	s9 =	smov.u32 s14  }
0x52: {  	s10 =	sor.u32 $0x180, s13;
	v9 =	vld [tilespmem:s9+$0x0]  }
0x53: {  	v2 =	vld [tilespmem:s10+$0x0]  }
0x54: {  	v1 =	vld [tilespmem:s9+$0x300];
	_ =	sdelay $0x1  }
0x55: {  	vm5 =	vlt.s32 v4, $0x3C;
	vm2 =	vlt.s32 v5, $0x3C  }
0x56: {  	vm4 =	vge.s32 v4, $0x3C;
	vm3 =	vge.s32 v9, $0x3C;
	vm6 =	vlt.s32 v9, $0x3C  }
0x57: {  	vm7 =	vge.s32 v2, $0x3C;
	vm8 =	vlt.s32 v2, $0x3C  }
0x58: {  	vm9 =	vge.s32 v5, $0x3C;
	vm1 =	vne.s32 v1, $0x0;
	vm0 =	veq.s32 v1, $0x0  }
0x59: {  	vm6 =	vmand vm0, vm6;
	vm10 =	vmand vm1, vm3;
	vm7 =	vmand vm1, vm7;
	v1 =	vld [tilespmem:s9+$0x200]  }
0x5a: {  	vm9 =	vmand vm1, vm9;
	v3 =	vsel vm6, $0x1, v0;
	vm3 =	vmxor vm6, vm10  }
0x5b: {  	vm2 =	vmand vm0, vm2;
	v6 =	vsel vm9, $0x1, v0;
	v7 =	vsel vm7, $0x1, v0  }
0x5c: {  	vm5 =	vmand vm0, vm5;
	v8 =	vsel vm10, $0x1, v0;
	vm6 =	vmand vm0, vm8  }
0x5d: {  	v10 =	vsel vm5, $0x1, v0;
	v11 =	vadd.s32 v8, v3;
	v3 =	vsel vm2, $0x1, v0  }
0x5e: {  	v17 =	vsub.s32 $0x1, v11;
	vm2 =	veq.s32 v11, $0x0;
	vm5 =	vge.s32 v1, $0x3C  }
0x5f: {  	vm4 =	vmand vm1, vm4;
	v8 =	vmul.u32 v9, v11;
	v12 =	vadd.s32 v6, v3;
	v3 =	vld [tilespmem:s9+$0x280]  }
.Ltmp0:
0x60: {  	v6 =	vsel vm4, $0x1, v0;
	v15 =	vsub.s32 $0x1, v12;
	vm5 =	vmand vm1, vm5;
	(pc) =	sbr.rel @p0 .LBB2_2-.Ltmp0, $4  }
0x61: {  	v6 =	vadd.s32 v6, v10;
	v13 =	vadd.s32 v17, v15;
	vm4 =	vlt.s32 v1, $0x3C  }
0x62: {  	v14 =	vsub.s32 $0x1, v6;
	vm4 =	vmand vm0, vm4;
	v10 =	vsel vm5, $0x1, v0  }
0x63: {  	v18 =	vsel vm6, $0x1, v0;
	vm7 =	veq.s32 v13, $0x0;
	vm5 =	veq.s32 v13, $0x2  }
0x64: {  	v7 =	vadd.s32 v7, v18;
	v16 =	vnsel vm7, $0x0, v14;
	vm6 =	vge.s32 v3, $0x3C  }
0x65: {  	v9 =	vmul.u32 v9, v17;
	v56 =	vnsel vm3, $0x0, v15  }
0x66: {  	vm1 =	vmand vm1, vm6;
	v18 =	vnsel vm3, $0x0, v12;
	vm11 =	vlt.s32 v3, $0x3C  }
0x67: {  	v19 =	vnsel vm5, $0x0, v14;
	vm12 =	veq.s32 v13, $0x1;
	v57 =	vnsel vm2, $0x0, v15  }
0x68: {  	v11 =	vadd.s32 v11, v12;
	v58 =	vnsel vm2, $0x0, v12;
	v16 =	vmul.u32 v4, v16  }
0x69: {  	v60 =	vadd.s32 v14, v13;
	v61 =	vsel vm4, $0x1, v0;
	v63 =	vsub.s32 $0x1, v7  }
0x6a: {  	v17 =	vmul.u32 v5, v56;
	v18 =	vmul.u32 v5, v18;
	vm0 =	vmand vm0, vm11  }
0x6b: {  	v19 =	vmul.u32 v4, v19;
	v20 =	vnsel vm12, $0x0, v14;
	v15 =	vmul.u32 v5, v57  }
0x6c: {  	v59 =	vmul.u32 v5, v58;
	v62 =	vadd.s32 v6, v11;
	vm13 =	veq.s32 v11, $0x0  }
0x6d: {  	vm14 =	veq.s32 v60, $0x0;
	v23 =	vadd.s32 v63, v60;
	vm15 =	veq.s32 v11, $0x2  }
0x6e: {  	vm8 =	veq.s32 v60, $0x1;
	vm9 =	veq.s32 v60, $0x2;
	v10 =	vadd.s32 v10, v61  }
0x6f: {  	vm12 =	veq.s32 v11, $0x1;
	vm0 =	vmor vm0, vm1;
	v20 =	vmul.u32 v4, v20  }
0x70: {  	v28 =	vnsel vm15, $0x0, v6;
	v29 =	vnsel vm14, $0x0, v63;
	v30 =	vnsel vm9, $0x0, v63  }
0x71: {  	v24 =	vnsel vm13, $0x0, v6;
	vm1 =	veq.s32 v23, $0x2;
	vm10 =	veq.s32 v62, $0x1  }
0x72: {  	v35 =	vsub.s32 $0x1, v10;
	vm11 =	veq.s32 v62, $0x2;
	vm3 =	veq.s32 v23, $0x1  }
0x73: {  	v40 =	vadd.s32 v7, v62;
	vm13 =	veq.s32 v62, $0x0;
	v41 =	vnsel vm12, $0x0, v6  }
0x74: {  	v21 =	vsel vm0, $0x1, v0;
	v9 =	vadd.s32 v9, v17;
	vm0 =	veq.s32 v23, $0x0  }
0x75: {  	v13 =	vmul.u32 v2, v29;
	v31 =	vmul.u32 v2, v30;
	v17 =	vnsel vm8, $0x0, v63  }
0x76: {  	v5 =	vadd.s32 v8, v59;
	v33 =	vmul.u32 v4, v24;
	v36 =	vnsel vm10, $0x0, v7  }
0x77: {  	v12 =	vmul.u32 v4, v28;
	v37 =	vnsel vm11, $0x0, v7;
	v39 =	vadd.s32 v35, v23  }
0x78: {  	vm14 =	veq.s32 v40, $0x0;
	v43 =	vmul.u32 v4, v41;
	vm9 =	veq.s32 v40, $0x1  }
0x79: {  	v45 =	vnsel vm13, $0x0, v7;
	vm11 =	veq.s32 v40, $0x2;
	v50 =	vnsel vm3, $0x0, v35  }
0x7a: {  	v55 =	vnsel vm1, $0x0, v35;
	v22 =	vxor.u32 $0x1, v21;
	v15 =	vadd.s32 v15, v20  }
0x7b: {  	v9 =	vadd.s32 v16, v9;
	v38 =	vmul.u32 v2, v37;
	v42 =	vmul.u32 v2, v17  }
0x7c: {  	v44 =	vnsel vm14, $0x0, v10;
	vm15 =	veq.s32 v39, $0x0;
	vm10 =	veq.s32 v39, $0x1  }
0x7d: {  	v46 =	vnsel vm9, $0x0, v10;
	v49 =	vnsel vm11, $0x0, v10;
	v10 =	vadd.s32 v10, v40  }
0x7e: {  	v51 =	vmul.u32 v1, v50;
	v60 =	vnsel vm0, $0x0, v35;
	v32 =	vadd.s32 v13, v9  }
0x7f: {  	v34 =	vadd.s32 v19, v31;
	v19 =	vmul.u32 v2, v36;
	v5 =	vadd.s32 v33, v5  }
0x80: {  	v6 =	vmul.u32 v1, v44;
	v47 =	vnsel vm10, $0x0, v22;
	v25 =	vnsel vm15, $0x0, v22  }
0x81: {  	v23 =	vmul.u32 v1, v49;
	v4 =	vadd.s32 v18, v43;
	vm12 =	veq.s32 v10, $0x2  }
0x82: {  	v2 =	vmul.u32 v2, v45;
	v53 =	vmul.u32 v1, v46;
	vm13 =	veq.s32 v10, $0x0  }
0x83: {  	vm14 =	veq.s32 v10, $0x1;
	vm15 =	veq.s32 v39, $0x2;
	v61 =	vmul.u32 v1, v60  }
0x84: {  	v1 =	vmul.u32 v1, v55;
	v14 =	vadd.s32 v42, v15;
	v48 =	vmul.u32 v3, v47  }
0x85: {  	v52 =	vmul.u32 v3, v25;
	v9 =	vadd.s32 v12, v38;
	v56 =	vnsel vm13, $0x0, v21  }
0x86: {  	v57 =	vnsel vm12, $0x0, v21;
	v58 =	vnsel vm15, $0x0, v22;
	v59 =	vnsel vm14, $0x0, v21  }
0x87: {  	v11 =	vadd.s32 v51, v14;
	v2 =	vadd.s32 v2, v5;
	v7 =	vmul.u32 v3, v56  }
0x88: {  	v54 =	vadd.s32 v23, v9;
	v9 =	vmul.u32 v3, v57;
	v2 =	vadd.s32 v6, v2  }
0x89: {  	v4 =	vadd.s32 v19, v4;
	v12 =	vmul.u32 v3, v59;
	v2 =	vadd.s32 v7, v2  }
0x8a: {  	v4 =	vadd.s32 v53, v4;
	v5 =	vadd.s32 v9, v54;
	v2 =	vcvt.s32.f32 v2  }
0x8b: {  	v62 =	vadd.s32 v61, v32;
	v4 =	vadd.s32 v12, v4;
	v5 =	vcvt.s32.f32 v5  }
0x8c: {  	v3 =	vmul.u32 v3, v58;
	v4 =	vcvt.s32.f32 v4;
	[tilespmem:s9+$0x1000] =	vst v2;
	v2 =	vadd.s32 v52, v62  }
0x8d: {  	v1 =	vadd.s32 v1, v34;
	v63 =	vadd.s32 v48, v11;
	[tilespmem:s9+$0x1100] =	vst v5;
	v2 =	vcvt.s32.f32 v2  }
0x8e: {  	v1 =	vadd.s32 v3, v1;
	v3 =	vcvt.s32.f32 v63;
	[tilespmem:s9+$0x1080] =	vst v4  }
0x8f: {  	s8 =	sadd.s32 $0x1, s8;
	v1 =	vcvt.s32.f32 v1;
	[tilespmem:s10+$0x1000] =	vst v2  }
0x90: {  	p0 =	sne.s32 s8, s5;
	[tilespmem:s9+$0x1200] =	vst v3  }
.Ltmp1:
0x91: {  	[tilespmem:s9+$0x1280] =	vst v1;
	(pc) =	sbr.rel @p0 .LBB2_1-.Ltmp1, $4  }
0x92: {  	[hbm4b:s4+s2] =	stream.linear.scatter [tilespmem:s7], [sflag:$0x1], $0x1000, $0x38;
	[tilespmem:$0x2000] =	vst v63  }
0x93: {  	_ =	swait.ge [sflag:s6], $0x1000  }
0x94: {  	[sflag:s6] =	ssyncset.done $0x0  }
0x95: {  	[sflag:s6] =	ssyncadd.s32 $0xFFFFF000  }
0x96: {  	_ =	sfence.sel $0x180000  }
0x97: {  	[bflag:$0x0] =	sbarrier.arrive $0xFFFF  }
0x98: {  	p0 =	sne.s32 s1, $0x0;
	_ =	strace $0x90000047  }
0x99: {  	s0 =	sadd.s32 @!p0 $0x100000, s0;
	[bflag:$0x2] =	sbarrier.arrive $0xFFFF  }
0x9a: {  	[sflag:s0] =	ssyncadd.tile.s32 @!p0 $0x1;
	_ =	shalt  }
.Lfunc_end2:
_tile_overlayer_lowered:
.L_overlay_start_2:
0x9b: {  	(tag) =	ssettag $0x2  }
0x9c: {  	s0 =	rddreg [dreg:$0x0];
	s2 =	stileid.u32  }
0x9d: {  	s1 =	rddreg [dreg:$0x1];
	p0 =	sne.s32 s2, $0x0  }
0x9e: {  	s3 =	rddreg [dreg:$0x2];
	[bflag:$0x3] =	sbarrier.arrive $0xFFFF;
	s2 =	simm.s32 @!p0 $0x1C01  }
0x9f: {  	[timem:s3], [sflag:s2] =	dma.local @!p0 [hbm:s0], s1  }
0xa0: {  	s0 =	simm.s32 @!p0 $0x1  }
0xa1: {  	_ =	swait.ge @!p0 [sflag:s0], s1  }
0xa2: {  	s1 =	ssub.s32 @!p0 $0x0, s1;
	[sflag:s0] =	ssyncset.done @!p0 $0x0  }
0xa3: {  	[sflag:s0] =	ssyncadd.s32 @!p0 s1  }
0xa4: {  	[bflag:$0x3] =	sbarrier.arrive $0xFFFF  }
0xa5: {  	_ =	shalt  }

</sc_bundles>
